<compile_context>
chip_gen: v7x
topology: tpu7x:2x2x1
jax: 0.10.2.dev20260603
libtpu: 0.0.44.dev20260713+nightly
codegen_flags: <defaults>
</compile_context>

<pallas_src>
import functools

import jax
import jax.numpy as jnp
from jax import lax
from jax.experimental import pallas as pl
from jax.experimental.pallas import tpu as pltpu
from jax.experimental.pallas import tpu_sc as plsc

_NUM_EMBEDDINGS = 1024
_EMBEDDING_DIM = 64
_BLOCK = 2048
_N_TOKENS = 8192
_NC, _NS = 2, 16
_NW = _NC * _NS
_BPW = _N_TOKENS // _NW


def _vq_kernel(n_tokens, grid, x_ref, emb_ref, x2_ref, e2_ref, idx_ref,
               loss_ref, loss_scr):
    i = pl.program_id(0)
    x = x_ref[...]
    emb = emb_ref[...]
    xt = x.T
    mm2_t = jnp.dot(emb + emb, xt,
                    preferred_element_type=jnp.float32)
    scores_t = (x2_ref[...] - mm2_t) + e2_ref[...]
    minval = jnp.min(scores_t, axis=0)
    iota_c = jax.lax.broadcasted_iota(jnp.int32, (_NUM_EMBEDDINGS, _BLOCK), 0)
    masked = jnp.where(scores_t == minval[None, :], iota_c,
                       _NUM_EMBEDDINGS)
    idx = jnp.min(masked, axis=0).astype(jnp.int32)
    idx_ref[0, 0, :] = idx

    part_loss = jnp.sum(minval)

    @pl.when(i == 0)
    def _init():
        loss_scr[0, 0] = 0.0

    loss_scr[0, 0] += part_loss

    @pl.when(i == grid - 1)
    def _finalize():
        loss_ref[0, 0] = loss_scr[0, 0] / (n_tokens * _EMBEDDING_DIM)


_sc_mesh = plsc.VectorSubcoreMesh(core_axis_name="c", subcore_axis_name="s")


@functools.partial(
    pl.kernel, mesh=_sc_mesh,
    out_type=[
        jax.ShapeDtypeStruct((_N_TOKENS, 2 * _EMBEDDING_DIM), jnp.float32),
        jax.ShapeDtypeStruct((_NC, _NUM_EMBEDDINGS), jnp.float32),
    ],
    scratch_types=[
        pltpu.VMEM((_BPW,), jnp.int32),
        pltpu.VMEM((_BPW, 2 * _EMBEDDING_DIM), jnp.float32),
        pltpu.VMEM((_BPW,), jnp.float32),
        pltpu.VMEM((_NUM_EMBEDDINGS,), jnp.float32),
        pltpu.VMEM_SHARED((_NUM_EMBEDDINGS,), jnp.float32),
        pltpu.SemaphoreType.DMA,
    ],
)
def _sc_gather_hist(table_hbm, idx_hbm, out_hbm, counts_hbm,
                    idx_v, rows_v, ones_v, zeros_v, shared_counts, sem):
    c = lax.axis_index("c")
    s = lax.axis_index("s")
    wid = s * _NC + c
    base = wid * _BPW
    pltpu.sync_copy(idx_hbm.at[pl.ds(base, _BPW)], idx_v)
    pltpu.async_copy(table_hbm.at[idx_v], rows_v, sem).wait()
    pltpu.sync_copy(rows_v, out_hbm.at[pl.ds(base, _BPW)])

    @pl.when(s == 0)
    def _init():
        for j in range(_NUM_EMBEDDINGS // 16):
            zeros_v[pl.ds(16 * j, 16)] = jnp.zeros((16,), jnp.float32)
        pltpu.sync_copy(zeros_v, shared_counts)

    for j in range(_BPW // 16):
        ones_v[pl.ds(16 * j, 16)] = jnp.ones((16,), jnp.float32)
    plsc.subcore_barrier()
    pltpu.sync_copy(ones_v, shared_counts.at[idx_v], add=True)
    plsc.subcore_barrier()

    @pl.when(s == 0)
    def _out():
        pltpu.sync_copy(shared_counts, counts_hbm.at[c])


def _perp_kernel(n_tokens, counts_ref, perp_ref):
    counts = counts_ref[0, :] + counts_ref[1, :]
    p = counts * (1.0 / n_tokens)
    perp_ref[0, 0] = jnp.exp(-jnp.sum(p * jnp.log(p + 1e-10)))


def kernel(inputs, embedding):
    input_shape = inputs.shape
    flat = inputs.reshape(-1, _EMBEDDING_DIM)
    n_tokens = flat.shape[0]
    grid = n_tokens // _BLOCK
    x2 = jnp.sum(flat ** 2, axis=1).reshape(1, n_tokens)
    e2 = jnp.sum(embedding ** 2, axis=1).reshape(_NUM_EMBEDDINGS, 1)
    emb_pad = jnp.concatenate(
        [embedding, jnp.zeros((_NUM_EMBEDDINGS, _EMBEDDING_DIM), jnp.float32)],
        axis=1)

    idx3, loss = pl.pallas_call(
        functools.partial(_vq_kernel, n_tokens, grid),
        grid=(grid,),
        in_specs=[
            pl.BlockSpec((_BLOCK, _EMBEDDING_DIM), lambda i: (i, 0)),
            pl.BlockSpec((_NUM_EMBEDDINGS, _EMBEDDING_DIM), lambda i: (0, 0)),
            pl.BlockSpec((1, _BLOCK), lambda i: (0, i)),
            pl.BlockSpec((_NUM_EMBEDDINGS, 1), lambda i: (0, 0)),
        ],
        out_specs=[
            pl.BlockSpec((1, 1, _BLOCK), lambda i: (i, 0, 0)),
            pl.BlockSpec(memory_space=pltpu.SMEM, block_shape=(1, 1),
                         index_map=lambda i: (0, 0)),
        ],
        out_shape=[
            jax.ShapeDtypeStruct((grid, 1, _BLOCK), jnp.int32),
            jax.ShapeDtypeStruct((1, 1), jnp.float32),
        ],
        scratch_shapes=[
            pltpu.SMEM((1, 1), jnp.float32),
        ],
    )(flat, embedding, x2, e2)

    idx_flat = idx3.reshape(n_tokens)
    q_pad, counts2 = _sc_gather_hist(emb_pad, idx_flat)

    perp = pl.pallas_call(
        functools.partial(_perp_kernel, n_tokens),
        in_specs=[pl.BlockSpec((_NC, _NUM_EMBEDDINGS), lambda: (0, 0))],
        out_specs=pl.BlockSpec(memory_space=pltpu.SMEM, block_shape=(1, 1),
                               index_map=lambda: (0, 0)),
        out_shape=jax.ShapeDtypeStruct((1, 1), jnp.float32),
    )(counts2)

    quantized = q_pad[:, :_EMBEDDING_DIM].reshape(input_shape)
    indices = idx3.reshape(input_shape[:-1])
    return (quantized, loss.reshape(()), indices, perp.reshape(()))

# --- scband reference (transcript-rebuilt; emitter-appended) ---
"""Pipeline reference for scband-vector-quantizer-ema-49598282334507 (READ-ONLY COPY).

The authoritative reference and input builder live on the scoring server;
editing this copy changes nothing except your own understanding.
"""

import jax, jax.numpy as jnp
import numpy as np

NUM_EMBEDDINGS = 1024
EMBEDDING_DIM = 64
COMMITMENT_COST = 0.25


def setup_inputs(seed: int = 0) -> dict:
    key = jax.random.key(seed)
    k1, k2 = jax.random.split(key)
    inputs = jax.random.normal(k1, (8, 1024, EMBEDDING_DIM), dtype=jnp.float32)
    embedding = jax.random.normal(k2, (NUM_EMBEDDINGS, EMBEDDING_DIM), dtype=jnp.float32)
    return {"inputs": inputs, "embedding": embedding}


def reference(inputs, embedding):
    input_shape = inputs.shape
    flat_input = inputs.reshape(-1, EMBEDDING_DIM)
    # squared euclidean distances to each codebook entry
    distances = (
        jnp.sum(flat_input ** 2, axis=1, keepdims=True)
        - 2.0 * jnp.matmul(flat_input, embedding.T)
        + jnp.sum(embedding ** 2, axis=1)
    )
    encoding_indices = jnp.argmin(distances, axis=1)
    encodings = jax.nn.one_hot(encoding_indices, NUM_EMBEDDINGS, dtype=jnp.float32)
    quantized = jnp.take(embedding, encoding_indices, axis=0)
    # commitment loss (quantized detached)
    commitment_loss = jnp.mean((jax.lax.stop_gradient(quantized) - flat_input) ** 2)
    # straight-through estimator
    quantized = flat_input + jax.lax.stop_gradient(quantized - flat_input)
    avg_probs = jnp.mean(encodings, axis=0)
    perplexity = jnp.exp(-jnp.sum(avg_probs * jnp.log(avg_probs + 1e-10)))
    quantized = quantized.reshape(input_shape)
    indices = encoding_indices.reshape(input_shape[:-1])
    return (quantized, commitment_loss, indices, perplexity)

if __name__ == "__main__":
    import jax
    _d = setup_inputs()
    print(jax.jit(kernel)(*tuple(_d.values())))

</pallas_src>

<mosaic_0001>
#map = affine_map<(d0, d1) -> (0, 0)>
#map1 = affine_map<(d0, d1) -> (0)>
module attributes {stable_mosaic.version = 14 : i64} {
  func.func @_sc_gather_hist(%arg0: i32, %arg1: i32, %arg2: memref<1024x128xf32, #tpu.memory_space<hbm>>, %arg3: memref<8192xi32, #tpu.memory_space<hbm>>, %arg4: memref<8192x128xf32, #tpu.memory_space<hbm>>, %arg5: memref<2x1024xf32, #tpu.memory_space<hbm>>, %arg6: memref<256xi32, #tpu.memory_space<vmem>>, %arg7: memref<256x128xf32, #tpu.memory_space<vmem>>, %arg8: memref<256xf32, #tpu.memory_space<vmem>>, %arg9: memref<1024xf32, #tpu.memory_space<vmem>>, %arg10: memref<1024xf32, #tpu.memory_space<vmem_shared>>, %arg11: memref<!tpu.dma_semaphore, #tpu.memory_space<semaphore_mem>>) attributes {dimension_semantics = [#tpu.dimension_semantics<core_parallel>, #tpu.dimension_semantics<subcore_parallel>], iteration_bounds = array<i64: 2, 16>, scalar_prefetch = 0 : i64, scratch_operands = 6 : i64, tpu.core_type = #tpu.core_type<sc_vector_subcore>, window_params = [{transform_indices = #map}, {transform_indices = #map1}, {transform_indices = #map}, {transform_indices = #map}]} {
    %mul3A = arith.constant 2 : i32
    %mul3A_0 = arith.muli %arg1, %mul3A : i32
    %add3A = arith.addi %mul3A_0, %arg0 : i32
    %mul3A_1 = arith.constant 256 : i32
    %mul3A_2 = arith.muli %add3A, %mul3A_1 : i32
    "tpu.region"() ({
      %run_scoped3A = tpu.sem_alloc : memref<!tpu.dma_semaphore, #tpu.memory_space<semaphore_mem>>
      %dma_start3A_109 = tpu.memref_slice %arg3[%mul3A_2] : memref<8192xi32, #tpu.memory_space<hbm>> -> memref<256xi32, #tpu.memory_space<hbm>>
      %dma_start3A_110 = tpu.memref_slice %arg3[%mul3A_2] : memref<8192xi32, #tpu.memory_space<hbm>> -> memref<256xi32, #tpu.memory_space<hbm>>
      tpu.enqueue_dma source(%dma_start3A_110 : memref<256xi32, #tpu.memory_space<hbm>>) target(%arg6 : memref<256xi32, #tpu.memory_space<vmem>>) target_semaphore(%run_scoped3A : memref<!tpu.dma_semaphore, #tpu.memory_space<semaphore_mem>>)
      %dma_wait3A_111 = tpu.memref_slice %arg3[%mul3A_2] : memref<8192xi32, #tpu.memory_space<hbm>> -> memref<256xi32, #tpu.memory_space<hbm>>
      %dma_wait3A_112 = tpu.memref_slice %arg3[%mul3A_2] : memref<8192xi32, #tpu.memory_space<hbm>> -> memref<256xi32, #tpu.memory_space<hbm>>
      tpu.wait_dma2 semaphore(%run_scoped3A : memref<!tpu.dma_semaphore, #tpu.memory_space<semaphore_mem>>) src(%dma_wait3A_112 : memref<256xi32, #tpu.memory_space<hbm>>) dst(%arg6 : memref<256xi32, #tpu.memory_space<vmem>>)
      tpu.yield
    }) : () -> ()
    %dma_start3A = arith.constant 0 : i32
    %dma_start3A_3 = arith.constant 0 : i32
    %dma_start3A_4 = tpu.memref_slice %arg2[%dma_start3A, %dma_start3A_3] : memref<1024x128xf32, #tpu.memory_space<hbm>> -> memref<1024x128xf32, #tpu.memory_space<hbm>>
    tpu.enqueue_indirect_dma source(%dma_start3A_4 : memref<1024x128xf32, #tpu.memory_space<hbm>>) target(%arg7 : memref<256x128xf32, #tpu.memory_space<vmem>>) offsets(%arg6 : memref<256xi32, #tpu.memory_space<vmem>>) semaphore(%arg11 : memref<!tpu.dma_semaphore, #tpu.memory_space<semaphore_mem>>)
    %dma_wait3A = arith.constant 0 : i32
    %dma_wait3A_5 = arith.constant 0 : i32
    %dma_wait3A_6 = tpu.memref_slice %arg2[%dma_wait3A, %dma_wait3A_5] : memref<1024x128xf32, #tpu.memory_space<hbm>> -> memref<1024x128xf32, #tpu.memory_space<hbm>>
    tpu.wait_indirect_dma semaphore(%arg11 : memref<!tpu.dma_semaphore, #tpu.memory_space<semaphore_mem>>) src(%dma_wait3A_6 : memref<1024x128xf32, #tpu.memory_space<hbm>>) dst(%arg7 : memref<256x128xf32, #tpu.memory_space<vmem>>)
    "tpu.region"() ({
      %run_scoped3A = tpu.sem_alloc : memref<!tpu.dma_semaphore, #tpu.memory_space<semaphore_mem>>
      %dma_start3A_109 = arith.constant 0 : i32
      %dma_start3A_110 = tpu.memref_slice %arg4[%mul3A_2, %dma_start3A_109] : memref<8192x128xf32, #tpu.memory_space<hbm>> -> memref<256x128xf32, #tpu.memory_space<hbm>>
      %dma_start3A_111 = arith.constant 0 : i32
      %dma_start3A_112 = tpu.memref_slice %arg4[%mul3A_2, %dma_start3A_111] : memref<8192x128xf32, #tpu.memory_space<hbm>> -> memref<256x128xf32, #tpu.memory_space<hbm>>
      tpu.enqueue_dma source(%arg7 : memref<256x128xf32, #tpu.memory_space<vmem>>) target(%dma_start3A_112 : memref<256x128xf32, #tpu.memory_space<hbm>>) target_semaphore(%run_scoped3A : memref<!tpu.dma_semaphore, #tpu.memory_space<semaphore_mem>>)
      %dma_wait3A_113 = arith.constant 0 : i32
      %dma_wait3A_114 = tpu.memref_slice %arg4[%mul3A_2, %dma_wait3A_113] : memref<8192x128xf32, #tpu.memory_space<hbm>> -> memref<256x128xf32, #tpu.memory_space<hbm>>
      %dma_wait3A_115 = arith.constant 0 : i32
      %dma_wait3A_116 = tpu.memref_slice %arg4[%mul3A_2, %dma_wait3A_115] : memref<8192x128xf32, #tpu.memory_space<hbm>> -> memref<256x128xf32, #tpu.memory_space<hbm>>
      tpu.wait_dma2 semaphore(%run_scoped3A : memref<!tpu.dma_semaphore, #tpu.memory_space<semaphore_mem>>) src(%arg7 : memref<256x128xf32, #tpu.memory_space<vmem>>) dst(%dma_wait3A_116 : memref<256x128xf32, #tpu.memory_space<hbm>>)
      tpu.yield
    }) : () -> ()
    %eq3A = arith.constant 0 : i32
    %eq3A_7 = arith.cmpi eq, %arg1, %eq3A : i32
    %convert_element_type3A = arith.extui %eq3A_7 : i1 to i32
    %cond3A = arith.constant 0 : i32
    %cond3A_8 = arith.cmpi ne, %convert_element_type3A, %cond3A : i32
    scf.if %cond3A_8 {
      %broadcast_in_dim3A_109 = arith.constant 0.000000e+00 : f32
      %broadcast_in_dim3A_110 = vector.broadcast %broadcast_in_dim3A_109 : f32 to vector<16xf32>
      %swap3A_111 = arith.constant 0 : index
      %swap3A_112 = tpu.vector_load %arg9[%swap3A_111] {strides = array<i32>} : memref<1024xf32, #tpu.memory_space<vmem>>, vector<16xf32>,
      %swap3A_113 = vector.shape_cast %swap3A_112 : vector<16xf32> to vector<16xf32>
      %swap3A_114 = vector.shape_cast %broadcast_in_dim3A_110 : vector<16xf32> to vector<16xf32>
      tpu.vector_store %arg9[%swap3A_111], %swap3A_114 {strides = array<i32>} : memref<1024xf32, #tpu.memory_space<vmem>>, vector<16xf32>,
      %broadcast_in_dim3A_115 = arith.constant 0.000000e+00 : f32
      %broadcast_in_dim3A_116 = vector.broadcast %broadcast_in_dim3A_115 : f32 to vector<16xf32>
      %swap3A_117 = arith.constant 16 : index
      %swap3A_118 = tpu.vector_load %arg9[%swap3A_117] {strides = array<i32>} : memref<1024xf32, #tpu.memory_space<vmem>>, vector<16xf32>,
      %swap3A_119 = vector.shape_cast %swap3A_118 : vector<16xf32> to vector<16xf32>
      %swap3A_120 = vector.shape_cast %broadcast_in_dim3A_116 : vector<16xf32> to vector<16xf32>
      tpu.vector_store %arg9[%swap3A_117], %swap3A_120 {strides = array<i32>} : memref<1024xf32, #tpu.memory_space<vmem>>, vector<16xf32>,
      %broadcast_in_dim3A_121 = arith.constant 0.000000e+00 : f32
      %broadcast_in_dim3A_122 = vector.broadcast %broadcast_in_dim3A_121 : f32 to vector<16xf32>
      %swap3A_123 = arith.constant 32 : index
      %swap3A_124 = tpu.vector_load %arg9[%swap3A_123] {strides = array<i32>} : memref<1024xf32, #tpu.memory_space<vmem>>, vector<16xf32>,
      %swap3A_125 = vector.shape_cast %swap3A_124 : vector<16xf32> to vector<16xf32>
      %swap3A_126 = vector.shape_cast %broadcast_in_dim3A_122 : vector<16xf32> to vector<16xf32>
      tpu.vector_store %arg9[%swap3A_123], %swap3A_126 {strides = array<i32>} : memref<1024xf32, #tpu.memory_space<vmem>>, vector<16xf32>,
      %broadcast_in_dim3A_127 = arith.constant 0.000000e+00 : f32
      %broadcast_in_dim3A_128 = vector.broadcast %broadcast_in_dim3A_127 : f32 to vector<16xf32>
      %swap3A_129 = arith.constant 48 : index
      %swap3A_130 = tpu.vector_load %arg9[%swap3A_129] {strides = array<i32>} : memref<1024xf32, #tpu.memory_space<vmem>>, vector<16xf32>,
      %swap3A_131 = vector.shape_cast %swap3A_130 : vector<16xf32> to vector<16xf32>
      %swap3A_132 = vector.shape_cast %broadcast_in_dim3A_128 : vector<16xf32> to vector<16xf32>
      tpu.vector_store %arg9[%swap3A_129], %swap3A_132 {strides = array<i32>} : memref<1024xf32, #tpu.memory_space<vmem>>, vector<16xf32>,
      %broadcast_in_dim3A_133 = arith.constant 0.000000e+00 : f32
      %broadcast_in_dim3A_134 = vector.broadcast %broadcast_in_dim3A_133 : f32 to vector<16xf32>
      %swap3A_135 = arith.constant 64 : index
      %swap3A_136 = tpu.vector_load %arg9[%swap3A_135] {strides = array<i32>} : memref<1024xf32, #tpu.memory_space<vmem>>, vector<16xf32>,
      %swap3A_137 = vector.shape_cast %swap3A_136 : vector<16xf32> to vector<16xf32>
      %swap3A_138 = vector.shape_cast %broadcast_in_dim3A_134 : vector<16xf32> to vector<16xf32>
      tpu.vector_store %arg9[%swap3A_135], %swap3A_138 {strides = array<i32>} : memref<1024xf32, #tpu.memory_space<vmem>>, vector<16xf32>,
      %broadcast_in_dim3A_139 = arith.constant 0.000000e+00 : f32
      %broadcast_in_dim3A_140 = vector.broadcast %broadcast_in_dim3A_139 : f32 to vector<16xf32>
      %swap3A_141 = arith.constant 80 : index
      %swap3A_142 = tpu.vector_load %arg9[%swap3A_141] {strides = array<i32>} : memref<1024xf32, #tpu.memory_space<vmem>>, vector<16xf32>,
      %swap3A_143 = vector.shape_cast %swap3A_142 : vector<16xf32> to vector<16xf32>
      %swap3A_144 = vector.shape_cast %broadcast_in_dim3A_140 : vector<16xf32> to vector<16xf32>
      tpu.vector_store %arg9[%swap3A_141], %swap3A_144 {strides = array<i32>} : memref<1024xf32, #tpu.memory_space<vmem>>, vector<16xf32>,
      %broadcast_in_dim3A_145 = arith.constant 0.000000e+00 : f32
      %broadcast_in_dim3A_146 = vector.broadcast %broadcast_in_dim3A_145 : f32 to vector<16xf32>
      %swap3A_147 = arith.constant 96 : index
      %swap3A_148 = tpu.vector_load %arg9[%swap3A_147] {strides = array<i32>} : memref<1024xf32, #tpu.memory_space<vmem>>, vector<16xf32>,
      %swap3A_149 = vector.shape_cast %swap3A_148 : vector<16xf32> to vector<16xf32>
      %swap3A_150 = vector.shape_cast %broadcast_in_dim3A_146 : vector<16xf32> to vector<16xf32>
      tpu.vector_store %arg9[%swap3A_147], %swap3A_150 {strides = array<i32>} : memref<1024xf32, #tpu.memory_space<vmem>>, vector<16xf32>,
      %broadcast_in_dim3A_151 = arith.constant 0.000000e+00 : f32
      %broadcast_in_dim3A_152 = vector.broadcast %broadcast_in_dim3A_151 : f32 to vector<16xf32>
      %swap3A_153 = arith.constant 112 : index
      %swap3A_154 = tpu.vector_load %arg9[%swap3A_153] {strides = array<i32>} : memref<1024xf32, #tpu.memory_space<vmem>>, vector<16xf32>,
      %swap3A_155 = vector.shape_cast %swap3A_154 : vector<16xf32> to vector<16xf32>
      %swap3A_156 = vector.shape_cast %broadcast_in_dim3A_152 : vector<16xf32> to vector<16xf32>
      tpu.vector_store %arg9[%swap3A_153], %swap3A_156 {strides = array<i32>} : memref<1024xf32, #tpu.memory_space<vmem>>, vector<16xf32>,
      %broadcast_in_dim3A_157 = arith.constant 0.000000e+00 : f32
      %broadcast_in_dim3A_158 = vector.broadcast %broadcast_in_dim3A_157 : f32 to vector<16xf32>
      %swap3A_159 = arith.constant 128 : index
      %swap3A_160 = tpu.vector_load %arg9[%swap3A_159] {strides = array<i32>} : memref<1024xf32, #tpu.memory_space<vmem>>, vector<16xf32>,
      %swap3A_161 = vector.shape_cast %swap3A_160 : vector<16xf32> to vector<16xf32>
      %swap3A_162 = vector.shape_cast %broadcast_in_dim3A_158 : vector<16xf32> to vector<16xf32>
      tpu.vector_store %arg9[%swap3A_159], %swap3A_162 {strides = array<i32>} : memref<1024xf32, #tpu.memory_space<vmem>>, vector<16xf32>,
      %broadcast_in_dim3A_163 = arith.constant 0.000000e+00 : f32
      %broadcast_in_dim3A_164 = vector.broadcast %broadcast_in_dim3A_163 : f32 to vector<16xf32>
      %swap3A_165 = arith.constant 144 : index
      %swap3A_166 = tpu.vector_load %arg9[%swap3A_165] {strides = array<i32>} : memref<1024xf32, #tpu.memory_space<vmem>>, vector<16xf32>,
      %swap3A_167 = vector.shape_cast %swap3A_166 : vector<16xf32> to vector<16xf32>
      %swap3A_168 = vector.shape_cast %broadcast_in_dim3A_164 : vector<16xf32> to vector<16xf32>
      tpu.vector_store %arg9[%swap3A_165], %swap3A_168 {strides = array<i32>} : memref<1024xf32, #tpu.memory_space<vmem>>, vector<16xf32>,
      %broadcast_in_dim3A_169 = arith.constant 0.000000e+00 : f32
      %broadcast_in_dim3A_170 = vector.broadcast %broadcast_in_dim3A_169 : f32 to vector<16xf32>
      %swap3A_171 = arith.constant 160 : index
      %swap3A_172 = tpu.vector_load %arg9[%swap3A_171] {strides = array<i32>} : memref<1024xf32, #tpu.memory_space<vmem>>, vector<16xf32>,
      %swap3A_173 = vector.shape_cast %swap3A_172 : vector<16xf32> to vector<16xf32>
      %swap3A_174 = vector.shape_cast %broadcast_in_dim3A_170 : vector<16xf32> to vector<16xf32>
      tpu.vector_store %arg9[%swap3A_171], %swap3A_174 {strides = array<i32>} : memref<1024xf32, #tpu.memory_space<vmem>>, vector<16xf32>,
      %broadcast_in_dim3A_175 = arith.constant 0.000000e+00 : f32
      %broadcast_in_dim3A_176 = vector.broadcast %broadcast_in_dim3A_175 : f32 to vector<16xf32>
      %swap3A_177 = arith.constant 176 : index
      %swap3A_178 = tpu.vector_load %arg9[%swap3A_177] {strides = array<i32>} : memref<1024xf32, #tpu.memory_space<vmem>>, vector<16xf32>,
      %swap3A_179 = vector.shape_cast %swap3A_178 : vector<16xf32> to vector<16xf32>
      %swap3A_180 = vector.shape_cast %broadcast_in_dim3A_176 : vector<16xf32> to vector<16xf32>
      tpu.vector_store %arg9[%swap3A_177], %swap3A_180 {strides = array<i32>} : memref<1024xf32, #tpu.memory_space<vmem>>, vector<16xf32>,
      %broadcast_in_dim3A_181 = arith.constant 0.000000e+00 : f32
      %broadcast_in_dim3A_182 = vector.broadcast %broadcast_in_dim3A_181 : f32 to vector<16xf32>
      %swap3A_183 = arith.constant 192 : index
      %swap3A_184 = tpu.vector_load %arg9[%swap3A_183] {strides = array<i32>} : memref<1024xf32, #tpu.memory_space<vmem>>, vector<16xf32>,
      %swap3A_185 = vector.shape_cast %swap3A_184 : vector<16xf32> to vector<16xf32>
      %swap3A_186 = vector.shape_cast %broadcast_in_dim3A_182 : vector<16xf32> to vector<16xf32>
      tpu.vector_store %arg9[%swap3A_183], %swap3A_186 {strides = array<i32>} : memref<1024xf32, #tpu.memory_space<vmem>>, vector<16xf32>,
      %broadcast_in_dim3A_187 = arith.constant 0.000000e+00 : f32
      %broadcast_in_dim3A_188 = vector.broadcast %broadcast_in_dim3A_187 : f32 to vector<16xf32>
      %swap3A_189 = arith.constant 208 : index
      %swap3A_190 = tpu.vector_load %arg9[%swap3A_189] {strides = array<i32>} : memref<1024xf32, #tpu.memory_space<vmem>>, vector<16xf32>,
      %swap3A_191 = vector.shape_cast %swap3A_190 : vector<16xf32> to vector<16xf32>
      %swap3A_192 = vector.shape_cast %broadcast_in_dim3A_188 : vector<16xf32> to vector<16xf32>
      tpu.vector_store %arg9[%swap3A_189], %swap3A_192 {strides = array<i32>} : memref<1024xf32, #tpu.memory_space<vmem>>, vector<16xf32>,
      %broadcast_in_dim3A_193 = arith.constant 0.000000e+00 : f32
      %broadcast_in_dim3A_194 = vector.broadcast %broadcast_in_dim3A_193 : f32 to vector<16xf32>
      %swap3A_195 = arith.constant 224 : index
      %swap3A_196 = tpu.vector_load %arg9[%swap3A_195] {strides = array<i32>} : memref<1024xf32, #tpu.memory_space<vmem>>, vector<16xf32>,
      %swap3A_197 = vector.shape_cast %swap3A_196 : vector<16xf32> to vector<16xf32>
      %swap3A_198 = vector.shape_cast %broadcast_in_dim3A_194 : vector<16xf32> to vector<16xf32>
      tpu.vector_store %arg9[%swap3A_195], %swap3A_198 {strides = array<i32>} : memref<1024xf32, #tpu.memory_space<vmem>>, vector<16xf32>,
      %broadcast_in_dim3A_199 = arith.constant 0.000000e+00 : f32
      %broadcast_in_dim3A_200 = vector.broadcast %broadcast_in_dim3A_199 : f32 to vector<16xf32>
      %swap3A_201 = arith.constant 240 : index
      %swap3A_202 = tpu.vector_load %arg9[%swap3A_201] {strides = array<i32>} : memref<1024xf32, #tpu.memory_space<vmem>>, vector<16xf32>,
      %swap3A_203 = vector.shape_cast %swap3A_202 : vector<16xf32> to vector<16xf32>
      %swap3A_204 = vector.shape_cast %broadcast_in_dim3A_200 : vector<16xf32> to vector<16xf32>
      tpu.vector_store %arg9[%swap3A_201], %swap3A_204 {strides = array<i32>} : memref<1024xf32, #tpu.memory_space<vmem>>, vector<16xf32>,
      %broadcast_in_dim3A_205 = arith.constant 0.000000e+00 : f32
      %broadcast_in_dim3A_206 = vector.broadcast %broadcast_in_dim3A_205 : f32 to vector<16xf32>
      %swap3A_207 = arith.constant 256 : index
      %swap3A_208 = tpu.vector_load %arg9[%swap3A_207] {strides = array<i32>} : memref<1024xf32, #tpu.memory_space<vmem>>, vector<16xf32>,
      %swap3A_209 = vector.shape_cast %swap3A_208 : vector<16xf32> to vector<16xf32>
      %swap3A_210 = vector.shape_cast %broadcast_in_dim3A_206 : vector<16xf32> to vector<16xf32>
      tpu.vector_store %arg9[%swap3A_207], %swap3A_210 {strides = array<i32>} : memref<1024xf32, #tpu.memory_space<vmem>>, vector<16xf32>,
      %broadcast_in_dim3A_211 = arith.constant 0.000000e+00 : f32
      %broadcast_in_dim3A_212 = vector.broadcast %broadcast_in_dim3A_211 : f32 to vector<16xf32>
      %swap3A_213 = arith.constant 272 : index
      %swap3A_214 = tpu.vector_load %arg9[%swap3A_213] {strides = array<i32>} : memref<1024xf32, #tpu.memory_space<vmem>>, vector<16xf32>,
      %swap3A_215 = vector.shape_cast %swap3A_214 : vector<16xf32> to vector<16xf32>
      %swap3A_216 = vector.shape_cast %broadcast_in_dim3A_212 : vector<16xf32> to vector<16xf32>
      tpu.vector_store %arg9[%swap3A_213], %swap3A_216 {strides = array<i32>} : memref<1024xf32, #tpu.memory_space<vmem>>, vector<16xf32>,
      %broadcast_in_dim3A_217 = arith.constant 0.000000e+00 : f32
      %broadcast_in_dim3A_218 = vector.broadcast %broadcast_in_dim3A_217 : f32 to vector<16xf32>
      %swap3A_219 = arith.constant 288 : index
      %swap3A_220 = tpu.vector_load %arg9[%swap3A_219] {strides = array<i32>} : memref<1024xf32, #tpu.memory_space<vmem>>, vector<16xf32>,
      %swap3A_221 = vector.shape_cast %swap3A_220 : vector<16xf32> to vector<16xf32>
      %swap3A_222 = vector.shape_cast %broadcast_in_dim3A_218 : vector<16xf32> to vector<16xf32>
      tpu.vector_store %arg9[%swap3A_219], %swap3A_222 {strides = array<i32>} : memref<1024xf32, #tpu.memory_space<vmem>>, vector<16xf32>,
      %broadcast_in_dim3A_223 = arith.constant 0.000000e+00 : f32
      %broadcast_in_dim3A_224 = vector.broadcast %broadcast_in_dim3A_223 : f32 to vector<16xf32>
      %swap3A_225 = arith.constant 304 : index
      %swap3A_226 = tpu.vector_load %arg9[%swap3A_225] {strides = array<i32>} : memref<1024xf32, #tpu.memory_space<vmem>>, vector<16xf32>,
      %swap3A_227 = vector.shape_cast %swap3A_226 : vector<16xf32> to vector<16xf32>
      %swap3A_228 = vector.shape_cast %broadcast_in_dim3A_224 : vector<16xf32> to vector<16xf32>
      tpu.vector_store %arg9[%swap3A_225], %swap3A_228 {strides = array<i32>} : memref<1024xf32, #tpu.memory_space<vmem>>, vector<16xf32>,
      %broadcast_in_dim3A_229 = arith.constant 0.000000e+00 : f32
      %broadcast_in_dim3A_230 = vector.broadcast %broadcast_in_dim3A_229 : f32 to vector<16xf32>
      %swap3A_231 = arith.constant 320 : index
      %swap3A_232 = tpu.vector_load %arg9[%swap3A_231] {strides = array<i32>} : memref<1024xf32, #tpu.memory_space<vmem>>, vector<16xf32>,
      %swap3A_233 = vector.shape_cast %swap3A_232 : vector<16xf32> to vector<16xf32>
      %swap3A_234 = vector.shape_cast %broadcast_in_dim3A_230 : vector<16xf32> to vector<16xf32>
      tpu.vector_store %arg9[%swap3A_231], %swap3A_234 {strides = array<i32>} : memref<1024xf32, #tpu.memory_space<vmem>>, vector<16xf32>,
      %broadcast_in_dim3A_235 = arith.constant 0.000000e+00 : f32
      %broadcast_in_dim3A_236 = vector.broadcast %broadcast_in_dim3A_235 : f32 to vector<16xf32>
      %swap3A_237 = arith.constant 336 : index
      %swap3A_238 = tpu.vector_load %arg9[%swap3A_237] {strides = array<i32>} : memref<1024xf32, #tpu.memory_space<vmem>>, vector<16xf32>,
      %swap3A_239 = vector.shape_cast %swap3A_238 : vector<16xf32> to vector<16xf32>
      %swap3A_240 = vector.shape_cast %broadcast_in_dim3A_236 : vector<16xf32> to vector<16xf32>
      tpu.vector_store %arg9[%swap3A_237], %swap3A_240 {strides = array<i32>} : memref<1024xf32, #tpu.memory_space<vmem>>, vector<16xf32>,
      %broadcast_in_dim3A_241 = arith.constant 0.000000e+00 : f32
      %broadcast_in_dim3A_242 = vector.broadcast %broadcast_in_dim3A_241 : f32 to vector<16xf32>
      %swap3A_243 = arith.constant 352 : index
      %swap3A_244 = tpu.vector_load %arg9[%swap3A_243] {strides = array<i32>} : memref<1024xf32, #tpu.memory_space<vmem>>, vector<16xf32>,
      %swap3A_245 = vector.shape_cast %swap3A_244 : vector<16xf32> to vector<16xf32>
      %swap3A_246 = vector.shape_cast %broadcast_in_dim3A_242 : vector<16xf32> to vector<16xf32>
      tpu.vector_store %arg9[%swap3A_243], %swap3A_246 {strides = array<i32>} : memref<1024xf32, #tpu.memory_space<vmem>>, vector<16xf32>,
      %broadcast_in_dim3A_247 = arith.constant 0.000000e+00 : f32
      %broadcast_in_dim3A_248 = vector.broadcast %broadcast_in_dim3A_247 : f32 to vector<16xf32>
      %swap3A_249 = arith.constant 368 : index
      %swap3A_250 = tpu.vector_load %arg9[%swap3A_249] {strides = array<i32>} : memref<1024xf32, #tpu.memory_space<vmem>>, vector<16xf32>,
      %swap3A_251 = vector.shape_cast %swap3A_250 : vector<16xf32> to vector<16xf32>
      %swap3A_252 = vector.shape_cast %broadcast_in_dim3A_248 : vector<16xf32> to vector<16xf32>
      tpu.vector_store %arg9[%swap3A_249], %swap3A_252 {strides = array<i32>} : memref<1024xf32, #tpu.memory_space<vmem>>, vector<16xf32>,
      %broadcast_in_dim3A_253 = arith.constant 0.000000e+00 : f32
      %broadcast_in_dim3A_254 = vector.broadcast %broadcast_in_dim3A_253 : f32 to vector<16xf32>
      %swap3A_255 = arith.constant 384 : index
      %swap3A_256 = tpu.vector_load %arg9[%swap3A_255] {strides = array<i32>} : memref<1024xf32, #tpu.memory_space<vmem>>, vector<16xf32>,
      %swap3A_257 = vector.shape_cast %swap3A_256 : vector<16xf32> to vector<16xf32>
      %swap3A_258 = vector.shape_cast %broadcast_in_dim3A_254 : vector<16xf32> to vector<16xf32>
      tpu.vector_store %arg9[%swap3A_255], %swap3A_258 {strides = array<i32>} : memref<1024xf32, #tpu.memory_space<vmem>>, vector<16xf32>,
      %broadcast_in_dim3A_259 = arith.constant 0.000000e+00 : f32
      %broadcast_in_dim3A_260 = vector.broadcast %broadcast_in_dim3A_259 : f32 to vector<16xf32>
      %swap3A_261 = arith.constant 400 : index
      %swap3A_262 = tpu.vector_load %arg9[%swap3A_261] {strides = array<i32>} : memref<1024xf32, #tpu.memory_space<vmem>>, vector<16xf32>,
      %swap3A_263 = vector.shape_cast %swap3A_262 : vector<16xf32> to vector<16xf32>
      %swap3A_264 = vector.shape_cast %broadcast_in_dim3A_260 : vector<16xf32> to vector<16xf32>
      tpu.vector_store %arg9[%swap3A_261], %swap3A_264 {strides = array<i32>} : memref<1024xf32, #tpu.memory_space<vmem>>, vector<16xf32>,
      %broadcast_in_dim3A_265 = arith.constant 0.000000e+00 : f32
      %broadcast_in_dim3A_266 = vector.broadcast %broadcast_in_dim3A_265 : f32 to vector<16xf32>
      %swap3A_267 = arith.constant 416 : index
      %swap3A_268 = tpu.vector_load %arg9[%swap3A_267] {strides = array<i32>} : memref<1024xf32, #tpu.memory_space<vmem>>, vector<16xf32>,
      %swap3A_269 = vector.shape_cast %swap3A_268 : vector<16xf32> to vector<16xf32>
      %swap3A_270 = vector.shape_cast %broadcast_in_dim3A_266 : vector<16xf32> to vector<16xf32>
      tpu.vector_store %arg9[%swap3A_267], %swap3A_270 {strides = array<i32>} : memref<1024xf32, #tpu.memory_space<vmem>>, vector<16xf32>,
      %broadcast_in_dim3A_271 = arith.constant 0.000000e+00 : f32
      %broadcast_in_dim3A_272 = vector.broadcast %broadcast_in_dim3A_271 : f32 to vector<16xf32>
      %swap3A_273 = arith.constant 432 : index
      %swap3A_274 = tpu.vector_load %arg9[%swap3A_273] {strides = array<i32>} : memref<1024xf32, #tpu.memory_space<vmem>>, vector<16xf32>,
      %swap3A_275 = vector.shape_cast %swap3A_274 : vector<16xf32> to vector<16xf32>
      %swap3A_276 = vector.shape_cast %broadcast_in_dim3A_272 : vector<16xf32> to vector<16xf32>
      tpu.vector_store %arg9[%swap3A_273], %swap3A_276 {strides = array<i32>} : memref<1024xf32, #tpu.memory_space<vmem>>, vector<16xf32>,
      %broadcast_in_dim3A_277 = arith.constant 0.000000e+00 : f32
      %broadcast_in_dim3A_278 = vector.broadcast %broadcast_in_dim3A_277 : f32 to vector<16xf32>
      %swap3A_279 = arith.constant 448 : index
      %swap3A_280 = tpu.vector_load %arg9[%swap3A_279] {strides = array<i32>} : memref<1024xf32, #tpu.memory_space<vmem>>, vector<16xf32>,
      %swap3A_281 = vector.shape_cast %swap3A_280 : vector<16xf32> to vector<16xf32>
      %swap3A_282 = vector.shape_cast %broadcast_in_dim3A_278 : vector<16xf32> to vector<16xf32>
      tpu.vector_store %arg9[%swap3A_279], %swap3A_282 {strides = array<i32>} : memref<1024xf32, #tpu.memory_space<vmem>>, vector<16xf32>,
      %broadcast_in_dim3A_283 = arith.constant 0.000000e+00 : f32
      %broadcast_in_dim3A_284 = vector.broadcast %broadcast_in_dim3A_283 : f32 to vector<16xf32>
      %swap3A_285 = arith.constant 464 : index
      %swap3A_286 = tpu.vector_load %arg9[%swap3A_285] {strides = array<i32>} : memref<1024xf32, #tpu.memory_space<vmem>>, vector<16xf32>,
      %swap3A_287 = vector.shape_cast %swap3A_286 : vector<16xf32> to vector<16xf32>
      %swap3A_288 = vector.shape_cast %broadcast_in_dim3A_284 : vector<16xf32> to vector<16xf32>
      tpu.vector_store %arg9[%swap3A_285], %swap3A_288 {strides = array<i32>} : memref<1024xf32, #tpu.memory_space<vmem>>, vector<16xf32>,
      %broadcast_in_dim3A_289 = arith.constant 0.000000e+00 : f32
      %broadcast_in_dim3A_290 = vector.broadcast %broadcast_in_dim3A_289 : f32 to vector<16xf32>
      %swap3A_291 = arith.constant 480 : index
      %swap3A_292 = tpu.vector_load %arg9[%swap3A_291] {strides = array<i32>} : memref<1024xf32, #tpu.memory_space<vmem>>, vector<16xf32>,
      %swap3A_293 = vector.shape_cast %swap3A_292 : vector<16xf32> to vector<16xf32>
      %swap3A_294 = vector.shape_cast %broadcast_in_dim3A_290 : vector<16xf32> to vector<16xf32>
      tpu.vector_store %arg9[%swap3A_291], %swap3A_294 {strides = array<i32>} : memref<1024xf32, #tpu.memory_space<vmem>>, vector<16xf32>,
      %broadcast_in_dim3A_295 = arith.constant 0.000000e+00 : f32
      %broadcast_in_dim3A_296 = vector.broadcast %broadcast_in_dim3A_295 : f32 to vector<16xf32>
      %swap3A_297 = arith.constant 496 : index
      %swap3A_298 = tpu.vector_load %arg9[%swap3A_297] {strides = array<i32>} : memref<1024xf32, #tpu.memory_space<vmem>>, vector<16xf32>,
      %swap3A_299 = vector.shape_cast %swap3A_298 : vector<16xf32> to vector<16xf32>
      %swap3A_300 = vector.shape_cast %broadcast_in_dim3A_296 : vector<16xf32> to vector<16xf32>
      tpu.vector_store %arg9[%swap3A_297], %swap3A_300 {strides = array<i32>} : memref<1024xf32, #tpu.memory_space<vmem>>, vector<16xf32>,
      %broadcast_in_dim3A_301 = arith.constant 0.000000e+00 : f32
      %broadcast_in_dim3A_302 = vector.broadcast %broadcast_in_dim3A_301 : f32 to vector<16xf32>
      %swap3A_303 = arith.constant 512 : index
      %swap3A_304 = tpu.vector_load %arg9[%swap3A_303] {strides = array<i32>} : memref<1024xf32, #tpu.memory_space<vmem>>, vector<16xf32>,
      %swap3A_305 = vector.shape_cast %swap3A_304 : vector<16xf32> to vector<16xf32>
      %swap3A_306 = vector.shape_cast %broadcast_in_dim3A_302 : vector<16xf32> to vector<16xf32>
      tpu.vector_store %arg9[%swap3A_303], %swap3A_306 {strides = array<i32>} : memref<1024xf32, #tpu.memory_space<vmem>>, vector<16xf32>,
      %broadcast_in_dim3A_307 = arith.constant 0.000000e+00 : f32
      %broadcast_in_dim3A_308 = vector.broadcast %broadcast_in_dim3A_307 : f32 to vector<16xf32>
      %swap3A_309 = arith.constant 528 : index
      %swap3A_310 = tpu.vector_load %arg9[%swap3A_309] {strides = array<i32>} : memref<1024xf32, #tpu.memory_space<vmem>>, vector<16xf32>,
      %swap3A_311 = vector.shape_cast %swap3A_310 : vector<16xf32> to vector<16xf32>
      %swap3A_312 = vector.shape_cast %broadcast_in_dim3A_308 : vector<16xf32> to vector<16xf32>
      tpu.vector_store %arg9[%swap3A_309], %swap3A_312 {strides = array<i32>} : memref<1024xf32, #tpu.memory_space<vmem>>, vector<16xf32>,
      %broadcast_in_dim3A_313 = arith.constant 0.000000e+00 : f32
      %broadcast_in_dim3A_314 = vector.broadcast %broadcast_in_dim3A_313 : f32 to vector<16xf32>
      %swap3A_315 = arith.constant 544 : index
      %swap3A_316 = tpu.vector_load %arg9[%swap3A_315] {strides = array<i32>} : memref<1024xf32, #tpu.memory_space<vmem>>, vector<16xf32>,
      %swap3A_317 = vector.shape_cast %swap3A_316 : vector<16xf32> to vector<16xf32>
      %swap3A_318 = vector.shape_cast %broadcast_in_dim3A_314 : vector<16xf32> to vector<16xf32>
      tpu.vector_store %arg9[%swap3A_315], %swap3A_318 {strides = array<i32>} : memref<1024xf32, #tpu.memory_space<vmem>>, vector<16xf32>,
      %broadcast_in_dim3A_319 = arith.constant 0.000000e+00 : f32
      %broadcast_in_dim3A_320 = vector.broadcast %broadcast_in_dim3A_319 : f32 to vector<16xf32>
      %swap3A_321 = arith.constant 560 : index
      %swap3A_322 = tpu.vector_load %arg9[%swap3A_321] {strides = array<i32>} : memref<1024xf32, #tpu.memory_space<vmem>>, vector<16xf32>,
      %swap3A_323 = vector.shape_cast %swap3A_322 : vector<16xf32> to vector<16xf32>
      %swap3A_324 = vector.shape_cast %broadcast_in_dim3A_320 : vector<16xf32> to vector<16xf32>
      tpu.vector_store %arg9[%swap3A_321], %swap3A_324 {strides = array<i32>} : memref<1024xf32, #tpu.memory_space<vmem>>, vector<16xf32>,
      %broadcast_in_dim3A_325 = arith.constant 0.000000e+00 : f32
      %broadcast_in_dim3A_326 = vector.broadcast %broadcast_in_dim3A_325 : f32 to vector<16xf32>
      %swap3A_327 = arith.constant 576 : index
      %swap3A_328 = tpu.vector_load %arg9[%swap3A_327] {strides = array<i32>} : memref<1024xf32, #tpu.memory_space<vmem>>, vector<16xf32>,
      %swap3A_329 = vector.shape_cast %swap3A_328 : vector<16xf32> to vector<16xf32>
      %swap3A_330 = vector.shape_cast %broadcast_in_dim3A_326 : vector<16xf32> to vector<16xf32>
      tpu.vector_store %arg9[%swap3A_327], %swap3A_330 {strides = array<i32>} : memref<1024xf32, #tpu.memory_space<vmem>>, vector<16xf32>,
      %broadcast_in_dim3A_331 = arith.constant 0.000000e+00 : f32
      %broadcast_in_dim3A_332 = vector.broadcast %broadcast_in_dim3A_331 : f32 to vector<16xf32>
      %swap3A_333 = arith.constant 592 : index
      %swap3A_334 = tpu.vector_load %arg9[%swap3A_333] {strides = array<i32>} : memref<1024xf32, #tpu.memory_space<vmem>>, vector<16xf32>,
      %swap3A_335 = vector.shape_cast %swap3A_334 : vector<16xf32> to vector<16xf32>
      %swap3A_336 = vector.shape_cast %broadcast_in_dim3A_332 : vector<16xf32> to vector<16xf32>
      tpu.vector_store %arg9[%swap3A_333], %swap3A_336 {strides = array<i32>} : memref<1024xf32, #tpu.memory_space<vmem>>, vector<16xf32>,
      %broadcast_in_dim3A_337 = arith.constant 0.000000e+00 : f32
      %broadcast_in_dim3A_338 = vector.broadcast %broadcast_in_dim3A_337 : f32 to vector<16xf32>
      %swap3A_339 = arith.constant 608 : index
      %swap3A_340 = tpu.vector_load %arg9[%swap3A_339] {strides = array<i32>} : memref<1024xf32, #tpu.memory_space<vmem>>, vector<16xf32>,
      %swap3A_341 = vector.shape_cast %swap3A_340 : vector<16xf32> to vector<16xf32>
      %swap3A_342 = vector.shape_cast %broadcast_in_dim3A_338 : vector<16xf32> to vector<16xf32>
      tpu.vector_store %arg9[%swap3A_339], %swap3A_342 {strides = array<i32>} : memref<1024xf32, #tpu.memory_space<vmem>>, vector<16xf32>,
      %broadcast_in_dim3A_343 = arith.constant 0.000000e+00 : f32
      %broadcast_in_dim3A_344 = vector.broadcast %broadcast_in_dim3A_343 : f32 to vector<16xf32>
      %swap3A_345 = arith.constant 624 : index
      %swap3A_346 = tpu.vector_load %arg9[%swap3A_345] {strides = array<i32>} : memref<1024xf32, #tpu.memory_space<vmem>>, vector<16xf32>,
      %swap3A_347 = vector.shape_cast %swap3A_346 : vector<16xf32> to vector<16xf32>
      %swap3A_348 = vector.shape_cast %broadcast_in_dim3A_344 : vector<16xf32> to vector<16xf32>
      tpu.vector_store %arg9[%swap3A_345], %swap3A_348 {strides = array<i32>} : memref<1024xf32, #tpu.memory_space<vmem>>, vector<16xf32>,
      %broadcast_in_dim3A_349 = arith.constant 0.000000e+00 : f32
      %broadcast_in_dim3A_350 = vector.broadcast %broadcast_in_dim3A_349 : f32 to vector<16xf32>
      %swap3A_351 = arith.constant 640 : index
      %swap3A_352 = tpu.vector_load %arg9[%swap3A_351] {strides = array<i32>} : memref<1024xf32, #tpu.memory_space<vmem>>, vector<16xf32>,
      %swap3A_353 = vector.shape_cast %swap3A_352 : vector<16xf32> to vector<16xf32>
      %swap3A_354 = vector.shape_cast %broadcast_in_dim3A_350 : vector<16xf32> to vector<16xf32>
      tpu.vector_store %arg9[%swap3A_351], %swap3A_354 {strides = array<i32>} : memref<1024xf32, #tpu.memory_space<vmem>>, vector<16xf32>,
      %broadcast_in_dim3A_355 = arith.constant 0.000000e+00 : f32
      %broadcast_in_dim3A_356 = vector.broadcast %broadcast_in_dim3A_355 : f32 to vector<16xf32>
      %swap3A_357 = arith.constant 656 : index
      %swap3A_358 = tpu.vector_load %arg9[%swap3A_357] {strides = array<i32>} : memref<1024xf32, #tpu.memory_space<vmem>>, vector<16xf32>,
      %swap3A_359 = vector.shape_cast %swap3A_358 : vector<16xf32> to vector<16xf32>
      %swap3A_360 = vector.shape_cast %broadcast_in_dim3A_356 : vector<16xf32> to vector<16xf32>
      tpu.vector_store %arg9[%swap3A_357], %swap3A_360 {strides = array<i32>} : memref<1024xf32, #tpu.memory_space<vmem>>, vector<16xf32>,
      %broadcast_in_dim3A_361 = arith.constant 0.000000e+00 : f32
      %broadcast_in_dim3A_362 = vector.broadcast %broadcast_in_dim3A_361 : f32 to vector<16xf32>
      %swap3A_363 = arith.constant 672 : index
      %swap3A_364 = tpu.vector_load %arg9[%swap3A_363] {strides = array<i32>} : memref<1024xf32, #tpu.memory_space<vmem>>, vector<16xf32>,
      %swap3A_365 = vector.shape_cast %swap3A_364 : vector<16xf32> to vector<16xf32>
      %swap3A_366 = vector.shape_cast %broadcast_in_dim3A_362 : vector<16xf32> to vector<16xf32>
      tpu.vector_store %arg9[%swap3A_363], %swap3A_366 {strides = array<i32>} : memref<1024xf32, #tpu.memory_space<vmem>>, vector<16xf32>,
      %broadcast_in_dim3A_367 = arith.constant 0.000000e+00 : f32
      %broadcast_in_dim3A_368 = vector.broadcast %broadcast_in_dim3A_367 : f32 to vector<16xf32>
      %swap3A_369 = arith.constant 688 : index
      %swap3A_370 = tpu.vector_load %arg9[%swap3A_369] {strides = array<i32>} : memref<1024xf32, #tpu.memory_space<vmem>>, vector<16xf32>,
      %swap3A_371 = vector.shape_cast %swap3A_370 : vector<16xf32> to vector<16xf32>
      %swap3A_372 = vector.shape_cast %broadcast_in_dim3A_368 : vector<16xf32> to vector<16xf32>
      tpu.vector_store %arg9[%swap3A_369], %swap3A_372 {strides = array<i32>} : memref<1024xf32, #tpu.memory_space<vmem>>, vector<16xf32>,
      %broadcast_in_dim3A_373 = arith.constant 0.000000e+00 : f32
      %broadcast_in_dim3A_374 = vector.broadcast %broadcast_in_dim3A_373 : f32 to vector<16xf32>
      %swap3A_375 = arith.constant 704 : index
      %swap3A_376 = tpu.vector_load %arg9[%swap3A_375] {strides = array<i32>} : memref<1024xf32, #tpu.memory_space<vmem>>, vector<16xf32>,
      %swap3A_377 = vector.shape_cast %swap3A_376 : vector<16xf32> to vector<16xf32>
      %swap3A_378 = vector.shape_cast %broadcast_in_dim3A_374 : vector<16xf32> to vector<16xf32>
      tpu.vector_store %arg9[%swap3A_375], %swap3A_378 {strides = array<i32>} : memref<1024xf32, #tpu.memory_space<vmem>>, vector<16xf32>,
      %broadcast_in_dim3A_379 = arith.constant 0.000000e+00 : f32
      %broadcast_in_dim3A_380 = vector.broadcast %broadcast_in_dim3A_379 : f32 to vector<16xf32>
      %swap3A_381 = arith.constant 720 : index
      %swap3A_382 = tpu.vector_load %arg9[%swap3A_381] {strides = array<i32>} : memref<1024xf32, #tpu.memory_space<vmem>>, vector<16xf32>,
      %swap3A_383 = vector.shape_cast %swap3A_382 : vector<16xf32> to vector<16xf32>
      %swap3A_384 = vector.shape_cast %broadcast_in_dim3A_380 : vector<16xf32> to vector<16xf32>
      tpu.vector_store %arg9[%swap3A_381], %swap3A_384 {strides = array<i32>} : memref<1024xf32, #tpu.memory_space<vmem>>, vector<16xf32>,
      %broadcast_in_dim3A_385 = arith.constant 0.000000e+00 : f32
      %broadcast_in_dim3A_386 = vector.broadcast %broadcast_in_dim3A_385 : f32 to vector<16xf32>
      %swap3A_387 = arith.constant 736 : index
      %swap3A_388 = tpu.vector_load %arg9[%swap3A_387] {strides = array<i32>} : memref<1024xf32, #tpu.memory_space<vmem>>, vector<16xf32>,
      %swap3A_389 = vector.shape_cast %swap3A_388 : vector<16xf32> to vector<16xf32>
      %swap3A_390 = vector.shape_cast %broadcast_in_dim3A_386 : vector<16xf32> to vector<16xf32>
      tpu.vector_store %arg9[%swap3A_387], %swap3A_390 {strides = array<i32>} : memref<1024xf32, #tpu.memory_space<vmem>>, vector<16xf32>,
      %broadcast_in_dim3A_391 = arith.constant 0.000000e+00 : f32
      %broadcast_in_dim3A_392 = vector.broadcast %broadcast_in_dim3A_391 : f32 to vector<16xf32>
      %swap3A_393 = arith.constant 752 : index
      %swap3A_394 = tpu.vector_load %arg9[%swap3A_393] {strides = array<i32>} : memref<1024xf32, #tpu.memory_space<vmem>>, vector<16xf32>,
      %swap3A_395 = vector.shape_cast %swap3A_394 : vector<16xf32> to vector<16xf32>
      %swap3A_396 = vector.shape_cast %broadcast_in_dim3A_392 : vector<16xf32> to vector<16xf32>
      tpu.vector_store %arg9[%swap3A_393], %swap3A_396 {strides = array<i32>} : memref<1024xf32, #tpu.memory_space<vmem>>, vector<16xf32>,
      %broadcast_in_dim3A_397 = arith.constant 0.000000e+00 : f32
      %broadcast_in_dim3A_398 = vector.broadcast %broadcast_in_dim3A_397 : f32 to vector<16xf32>
      %swap3A_399 = arith.constant 768 : index
      %swap3A_400 = tpu.vector_load %arg9[%swap3A_399] {strides = array<i32>} : memref<1024xf32, #tpu.memory_space<vmem>>, vector<16xf32>,
      %swap3A_401 = vector.shape_cast %swap3A_400 : vector<16xf32> to vector<16xf32>
      %swap3A_402 = vector.shape_cast %broadcast_in_dim3A_398 : vector<16xf32> to vector<16xf32>
      tpu.vector_store %arg9[%swap3A_399], %swap3A_402 {strides = array<i32>} : memref<1024xf32, #tpu.memory_space<vmem>>, vector<16xf32>,
      %broadcast_in_dim3A_403 = arith.constant 0.000000e+00 : f32
      %broadcast_in_dim3A_404 = vector.broadcast %broadcast_in_dim3A_403 : f32 to vector<16xf32>
      %swap3A_405 = arith.constant 784 : index
      %swap3A_406 = tpu.vector_load %arg9[%swap3A_405] {strides = array<i32>} : memref<1024xf32, #tpu.memory_space<vmem>>, vector<16xf32>,
      %swap3A_407 = vector.shape_cast %swap3A_406 : vector<16xf32> to vector<16xf32>
      %swap3A_408 = vector.shape_cast %broadcast_in_dim3A_404 : vector<16xf32> to vector<16xf32>
      tpu.vector_store %arg9[%swap3A_405], %swap3A_408 {strides = array<i32>} : memref<1024xf32, #tpu.memory_space<vmem>>, vector<16xf32>,
      %broadcast_in_dim3A_409 = arith.constant 0.000000e+00 : f32
      %broadcast_in_dim3A_410 = vector.broadcast %broadcast_in_dim3A_409 : f32 to vector<16xf32>
      %swap3A_411 = arith.constant 800 : index
      %swap3A_412 = tpu.vector_load %arg9[%swap3A_411] {strides = array<i32>} : memref<1024xf32, #tpu.memory_space<vmem>>, vector<16xf32>,
      %swap3A_413 = vector.shape_cast %swap3A_412 : vector<16xf32> to vector<16xf32>
      %swap3A_414 = vector.shape_cast %broadcast_in_dim3A_410 : vector<16xf32> to vector<16xf32>
      tpu.vector_store %arg9[%swap3A_411], %swap3A_414 {strides = array<i32>} : memref<1024xf32, #tpu.memory_space<vmem>>, vector<16xf32>,
      %broadcast_in_dim3A_415 = arith.constant 0.000000e+00 : f32
      %broadcast_in_dim3A_416 = vector.broadcast %broadcast_in_dim3A_415 : f32 to vector<16xf32>
      %swap3A_417 = arith.constant 816 : index
      %swap3A_418 = tpu.vector_load %arg9[%swap3A_417] {strides = array<i32>} : memref<1024xf32, #tpu.memory_space<vmem>>, vector<16xf32>,
      %swap3A_419 = vector.shape_cast %swap3A_418 : vector<16xf32> to vector<16xf32>
      %swap3A_420 = vector.shape_cast %broadcast_in_dim3A_416 : vector<16xf32> to vector<16xf32>
      tpu.vector_store %arg9[%swap3A_417], %swap3A_420 {strides = array<i32>} : memref<1024xf32, #tpu.memory_space<vmem>>, vector<16xf32>,
      %broadcast_in_dim3A_421 = arith.constant 0.000000e+00 : f32
      %broadcast_in_dim3A_422 = vector.broadcast %broadcast_in_dim3A_421 : f32 to vector<16xf32>
      %swap3A_423 = arith.constant 832 : index
      %swap3A_424 = tpu.vector_load %arg9[%swap3A_423] {strides = array<i32>} : memref<1024xf32, #tpu.memory_space<vmem>>, vector<16xf32>,
      %swap3A_425 = vector.shape_cast %swap3A_424 : vector<16xf32> to vector<16xf32>
      %swap3A_426 = vector.shape_cast %broadcast_in_dim3A_422 : vector<16xf32> to vector<16xf32>
      tpu.vector_store %arg9[%swap3A_423], %swap3A_426 {strides = array<i32>} : memref<1024xf32, #tpu.memory_space<vmem>>, vector<16xf32>,
      %broadcast_in_dim3A_427 = arith.constant 0.000000e+00 : f32
      %broadcast_in_dim3A_428 = vector.broadcast %broadcast_in_dim3A_427 : f32 to vector<16xf32>
      %swap3A_429 = arith.constant 848 : index
      %swap3A_430 = tpu.vector_load %arg9[%swap3A_429] {strides = array<i32>} : memref<1024xf32, #tpu.memory_space<vmem>>, vector<16xf32>,
      %swap3A_431 = vector.shape_cast %swap3A_430 : vector<16xf32> to vector<16xf32>
      %swap3A_432 = vector.shape_cast %broadcast_in_dim3A_428 : vector<16xf32> to vector<16xf32>
      tpu.vector_store %arg9[%swap3A_429], %swap3A_432 {strides = array<i32>} : memref<1024xf32, #tpu.memory_space<vmem>>, vector<16xf32>,
      %broadcast_in_dim3A_433 = arith.constant 0.000000e+00 : f32
      %broadcast_in_dim3A_434 = vector.broadcast %broadcast_in_dim3A_433 : f32 to vector<16xf32>
      %swap3A_435 = arith.constant 864 : index
      %swap3A_436 = tpu.vector_load %arg9[%swap3A_435] {strides = array<i32>} : memref<1024xf32, #tpu.memory_space<vmem>>, vector<16xf32>,
      %swap3A_437 = vector.shape_cast %swap3A_436 : vector<16xf32> to vector<16xf32>
      %swap3A_438 = vector.shape_cast %broadcast_in_dim3A_434 : vector<16xf32> to vector<16xf32>
      tpu.vector_store %arg9[%swap3A_435], %swap3A_438 {strides = array<i32>} : memref<1024xf32, #tpu.memory_space<vmem>>, vector<16xf32>,
      %broadcast_in_dim3A_439 = arith.constant 0.000000e+00 : f32
      %broadcast_in_dim3A_440 = vector.broadcast %broadcast_in_dim3A_439 : f32 to vector<16xf32>
      %swap3A_441 = arith.constant 880 : index
      %swap3A_442 = tpu.vector_load %arg9[%swap3A_441] {strides = array<i32>} : memref<1024xf32, #tpu.memory_space<vmem>>, vector<16xf32>,
      %swap3A_443 = vector.shape_cast %swap3A_442 : vector<16xf32> to vector<16xf32>
      %swap3A_444 = vector.shape_cast %broadcast_in_dim3A_440 : vector<16xf32> to vector<16xf32>
      tpu.vector_store %arg9[%swap3A_441], %swap3A_444 {strides = array<i32>} : memref<1024xf32, #tpu.memory_space<vmem>>, vector<16xf32>,
      %broadcast_in_dim3A_445 = arith.constant 0.000000e+00 : f32
      %broadcast_in_dim3A_446 = vector.broadcast %broadcast_in_dim3A_445 : f32 to vector<16xf32>
      %swap3A_447 = arith.constant 896 : index
      %swap3A_448 = tpu.vector_load %arg9[%swap3A_447] {strides = array<i32>} : memref<1024xf32, #tpu.memory_space<vmem>>, vector<16xf32>,
      %swap3A_449 = vector.shape_cast %swap3A_448 : vector<16xf32> to vector<16xf32>
      %swap3A_450 = vector.shape_cast %broadcast_in_dim3A_446 : vector<16xf32> to vector<16xf32>
      tpu.vector_store %arg9[%swap3A_447], %swap3A_450 {strides = array<i32>} : memref<1024xf32, #tpu.memory_space<vmem>>, vector<16xf32>,
      %broadcast_in_dim3A_451 = arith.constant 0.000000e+00 : f32
      %broadcast_in_dim3A_452 = vector.broadcast %broadcast_in_dim3A_451 : f32 to vector<16xf32>
      %swap3A_453 = arith.constant 912 : index
      %swap3A_454 = tpu.vector_load %arg9[%swap3A_453] {strides = array<i32>} : memref<1024xf32, #tpu.memory_space<vmem>>, vector<16xf32>,
      %swap3A_455 = vector.shape_cast %swap3A_454 : vector<16xf32> to vector<16xf32>
      %swap3A_456 = vector.shape_cast %broadcast_in_dim3A_452 : vector<16xf32> to vector<16xf32>
      tpu.vector_store %arg9[%swap3A_453], %swap3A_456 {strides = array<i32>} : memref<1024xf32, #tpu.memory_space<vmem>>, vector<16xf32>,
      %broadcast_in_dim3A_457 = arith.constant 0.000000e+00 : f32
      %broadcast_in_dim3A_458 = vector.broadcast %broadcast_in_dim3A_457 : f32 to vector<16xf32>
      %swap3A_459 = arith.constant 928 : index
      %swap3A_460 = tpu.vector_load %arg9[%swap3A_459] {strides = array<i32>} : memref<1024xf32, #tpu.memory_space<vmem>>, vector<16xf32>,
      %swap3A_461 = vector.shape_cast %swap3A_460 : vector<16xf32> to vector<16xf32>
      %swap3A_462 = vector.shape_cast %broadcast_in_dim3A_458 : vector<16xf32> to vector<16xf32>
      tpu.vector_store %arg9[%swap3A_459], %swap3A_462 {strides = array<i32>} : memref<1024xf32, #tpu.memory_space<vmem>>, vector<16xf32>,
      %broadcast_in_dim3A_463 = arith.constant 0.000000e+00 : f32
      %broadcast_in_dim3A_464 = vector.broadcast %broadcast_in_dim3A_463 : f32 to vector<16xf32>
      %swap3A_465 = arith.constant 944 : index
      %swap3A_466 = tpu.vector_load %arg9[%swap3A_465] {strides = array<i32>} : memref<1024xf32, #tpu.memory_space<vmem>>, vector<16xf32>,
      %swap3A_467 = vector.shape_cast %swap3A_466 : vector<16xf32> to vector<16xf32>
      %swap3A_468 = vector.shape_cast %broadcast_in_dim3A_464 : vector<16xf32> to vector<16xf32>
      tpu.vector_store %arg9[%swap3A_465], %swap3A_468 {strides = array<i32>} : memref<1024xf32, #tpu.memory_space<vmem>>, vector<16xf32>,
      %broadcast_in_dim3A_469 = arith.constant 0.000000e+00 : f32
      %broadcast_in_dim3A_470 = vector.broadcast %broadcast_in_dim3A_469 : f32 to vector<16xf32>
      %swap3A_471 = arith.constant 960 : index
      %swap3A_472 = tpu.vector_load %arg9[%swap3A_471] {strides = array<i32>} : memref<1024xf32, #tpu.memory_space<vmem>>, vector<16xf32>,
      %swap3A_473 = vector.shape_cast %swap3A_472 : vector<16xf32> to vector<16xf32>
      %swap3A_474 = vector.shape_cast %broadcast_in_dim3A_470 : vector<16xf32> to vector<16xf32>
      tpu.vector_store %arg9[%swap3A_471], %swap3A_474 {strides = array<i32>} : memref<1024xf32, #tpu.memory_space<vmem>>, vector<16xf32>,
      %broadcast_in_dim3A_475 = arith.constant 0.000000e+00 : f32
      %broadcast_in_dim3A_476 = vector.broadcast %broadcast_in_dim3A_475 : f32 to vector<16xf32>
      %swap3A_477 = arith.constant 976 : index
      %swap3A_478 = tpu.vector_load %arg9[%swap3A_477] {strides = array<i32>} : memref<1024xf32, #tpu.memory_space<vmem>>, vector<16xf32>,
      %swap3A_479 = vector.shape_cast %swap3A_478 : vector<16xf32> to vector<16xf32>
      %swap3A_480 = vector.shape_cast %broadcast_in_dim3A_476 : vector<16xf32> to vector<16xf32>
      tpu.vector_store %arg9[%swap3A_477], %swap3A_480 {strides = array<i32>} : memref<1024xf32, #tpu.memory_space<vmem>>, vector<16xf32>,
      %broadcast_in_dim3A_481 = arith.constant 0.000000e+00 : f32
      %broadcast_in_dim3A_482 = vector.broadcast %broadcast_in_dim3A_481 : f32 to vector<16xf32>
      %swap3A_483 = arith.constant 992 : index
      %swap3A_484 = tpu.vector_load %arg9[%swap3A_483] {strides = array<i32>} : memref<1024xf32, #tpu.memory_space<vmem>>, vector<16xf32>,
      %swap3A_485 = vector.shape_cast %swap3A_484 : vector<16xf32> to vector<16xf32>
      %swap3A_486 = vector.shape_cast %broadcast_in_dim3A_482 : vector<16xf32> to vector<16xf32>
      tpu.vector_store %arg9[%swap3A_483], %swap3A_486 {strides = array<i32>} : memref<1024xf32, #tpu.memory_space<vmem>>, vector<16xf32>,
      %broadcast_in_dim3A_487 = arith.constant 0.000000e+00 : f32
      %broadcast_in_dim3A_488 = vector.broadcast %broadcast_in_dim3A_487 : f32 to vector<16xf32>
      %swap3A_489 = arith.constant 1008 : index
      %swap3A_490 = tpu.vector_load %arg9[%swap3A_489] {strides = array<i32>} : memref<1024xf32, #tpu.memory_space<vmem>>, vector<16xf32>,
      %swap3A_491 = vector.shape_cast %swap3A_490 : vector<16xf32> to vector<16xf32>
      %swap3A_492 = vector.shape_cast %broadcast_in_dim3A_488 : vector<16xf32> to vector<16xf32>
      tpu.vector_store %arg9[%swap3A_489], %swap3A_492 {strides = array<i32>} : memref<1024xf32, #tpu.memory_space<vmem>>, vector<16xf32>,
      "tpu.region"() ({
        %run_scoped3A = tpu.sem_alloc : memref<!tpu.dma_semaphore, #tpu.memory_space<semaphore_mem>>
        tpu.enqueue_dma source(%arg9 : memref<1024xf32, #tpu.memory_space<vmem>>) target(%arg10 : memref<1024xf32, #tpu.memory_space<vmem_shared>>) target_semaphore(%run_scoped3A : memref<!tpu.dma_semaphore, #tpu.memory_space<semaphore_mem>>)
        tpu.wait_dma2 semaphore(%run_scoped3A : memref<!tpu.dma_semaphore, #tpu.memory_space<semaphore_mem>>) src(%arg9 : memref<1024xf32, #tpu.memory_space<vmem>>) dst(%arg10 : memref<1024xf32, #tpu.memory_space<vmem_shared>>)
        tpu.yield
      }) : () -> ()
    } else {
    }
    %broadcast_in_dim3A = arith.constant 1.000000e+00 : f32
    %broadcast_in_dim3A_9 = vector.broadcast %broadcast_in_dim3A : f32 to vector<16xf32>
    %swap3A = arith.constant 0 : index
    %swap3A_10 = tpu.vector_load %arg8[%swap3A] {strides = array<i32>} : memref<256xf32, #tpu.memory_space<vmem>>, vector<16xf32>,
    %swap3A_11 = vector.shape_cast %swap3A_10 : vector<16xf32> to vector<16xf32>
    %swap3A_12 = vector.shape_cast %broadcast_in_dim3A_9 : vector<16xf32> to vector<16xf32>
    tpu.vector_store %arg8[%swap3A], %swap3A_12 {strides = array<i32>} : memref<256xf32, #tpu.memory_space<vmem>>, vector<16xf32>,
    %broadcast_in_dim3A_13 = arith.constant 1.000000e+00 : f32
    %broadcast_in_dim3A_14 = vector.broadcast %broadcast_in_dim3A_13 : f32 to vector<16xf32>
    %swap3A_15 = arith.constant 16 : index
    %swap3A_16 = tpu.vector_load %arg8[%swap3A_15] {strides = array<i32>} : memref<256xf32, #tpu.memory_space<vmem>>, vector<16xf32>,
    %swap3A_17 = vector.shape_cast %swap3A_16 : vector<16xf32> to vector<16xf32>
    %swap3A_18 = vector.shape_cast %broadcast_in_dim3A_14 : vector<16xf32> to vector<16xf32>
    tpu.vector_store %arg8[%swap3A_15], %swap3A_18 {strides = array<i32>} : memref<256xf32, #tpu.memory_space<vmem>>, vector<16xf32>,
    %broadcast_in_dim3A_19 = arith.constant 1.000000e+00 : f32
    %broadcast_in_dim3A_20 = vector.broadcast %broadcast_in_dim3A_19 : f32 to vector<16xf32>
    %swap3A_21 = arith.constant 32 : index
    %swap3A_22 = tpu.vector_load %arg8[%swap3A_21] {strides = array<i32>} : memref<256xf32, #tpu.memory_space<vmem>>, vector<16xf32>,
    %swap3A_23 = vector.shape_cast %swap3A_22 : vector<16xf32> to vector<16xf32>
    %swap3A_24 = vector.shape_cast %broadcast_in_dim3A_20 : vector<16xf32> to vector<16xf32>
    tpu.vector_store %arg8[%swap3A_21], %swap3A_24 {strides = array<i32>} : memref<256xf32, #tpu.memory_space<vmem>>, vector<16xf32>,
    %broadcast_in_dim3A_25 = arith.constant 1.000000e+00 : f32
    %broadcast_in_dim3A_26 = vector.broadcast %broadcast_in_dim3A_25 : f32 to vector<16xf32>
    %swap3A_27 = arith.constant 48 : index
    %swap3A_28 = tpu.vector_load %arg8[%swap3A_27] {strides = array<i32>} : memref<256xf32, #tpu.memory_space<vmem>>, vector<16xf32>,
    %swap3A_29 = vector.shape_cast %swap3A_28 : vector<16xf32> to vector<16xf32>
    %swap3A_30 = vector.shape_cast %broadcast_in_dim3A_26 : vector<16xf32> to vector<16xf32>
    tpu.vector_store %arg8[%swap3A_27], %swap3A_30 {strides = array<i32>} : memref<256xf32, #tpu.memory_space<vmem>>, vector<16xf32>,
    %broadcast_in_dim3A_31 = arith.constant 1.000000e+00 : f32
    %broadcast_in_dim3A_32 = vector.broadcast %broadcast_in_dim3A_31 : f32 to vector<16xf32>
    %swap3A_33 = arith.constant 64 : index
    %swap3A_34 = tpu.vector_load %arg8[%swap3A_33] {strides = array<i32>} : memref<256xf32, #tpu.memory_space<vmem>>, vector<16xf32>,
    %swap3A_35 = vector.shape_cast %swap3A_34 : vector<16xf32> to vector<16xf32>
    %swap3A_36 = vector.shape_cast %broadcast_in_dim3A_32 : vector<16xf32> to vector<16xf32>
    tpu.vector_store %arg8[%swap3A_33], %swap3A_36 {strides = array<i32>} : memref<256xf32, #tpu.memory_space<vmem>>, vector<16xf32>,
    %broadcast_in_dim3A_37 = arith.constant 1.000000e+00 : f32
    %broadcast_in_dim3A_38 = vector.broadcast %broadcast_in_dim3A_37 : f32 to vector<16xf32>
    %swap3A_39 = arith.constant 80 : index
    %swap3A_40 = tpu.vector_load %arg8[%swap3A_39] {strides = array<i32>} : memref<256xf32, #tpu.memory_space<vmem>>, vector<16xf32>,
    %swap3A_41 = vector.shape_cast %swap3A_40 : vector<16xf32> to vector<16xf32>
    %swap3A_42 = vector.shape_cast %broadcast_in_dim3A_38 : vector<16xf32> to vector<16xf32>
    tpu.vector_store %arg8[%swap3A_39], %swap3A_42 {strides = array<i32>} : memref<256xf32, #tpu.memory_space<vmem>>, vector<16xf32>,
    %broadcast_in_dim3A_43 = arith.constant 1.000000e+00 : f32
    %broadcast_in_dim3A_44 = vector.broadcast %broadcast_in_dim3A_43 : f32 to vector<16xf32>
    %swap3A_45 = arith.constant 96 : index
    %swap3A_46 = tpu.vector_load %arg8[%swap3A_45] {strides = array<i32>} : memref<256xf32, #tpu.memory_space<vmem>>, vector<16xf32>,
    %swap3A_47 = vector.shape_cast %swap3A_46 : vector<16xf32> to vector<16xf32>
    %swap3A_48 = vector.shape_cast %broadcast_in_dim3A_44 : vector<16xf32> to vector<16xf32>
    tpu.vector_store %arg8[%swap3A_45], %swap3A_48 {strides = array<i32>} : memref<256xf32, #tpu.memory_space<vmem>>, vector<16xf32>,
    %broadcast_in_dim3A_49 = arith.constant 1.000000e+00 : f32
    %broadcast_in_dim3A_50 = vector.broadcast %broadcast_in_dim3A_49 : f32 to vector<16xf32>
    %swap3A_51 = arith.constant 112 : index
    %swap3A_52 = tpu.vector_load %arg8[%swap3A_51] {strides = array<i32>} : memref<256xf32, #tpu.memory_space<vmem>>, vector<16xf32>,
    %swap3A_53 = vector.shape_cast %swap3A_52 : vector<16xf32> to vector<16xf32>
    %swap3A_54 = vector.shape_cast %broadcast_in_dim3A_50 : vector<16xf32> to vector<16xf32>
    tpu.vector_store %arg8[%swap3A_51], %swap3A_54 {strides = array<i32>} : memref<256xf32, #tpu.memory_space<vmem>>, vector<16xf32>,
    %broadcast_in_dim3A_55 = arith.constant 1.000000e+00 : f32
    %broadcast_in_dim3A_56 = vector.broadcast %broadcast_in_dim3A_55 : f32 to vector<16xf32>
    %swap3A_57 = arith.constant 128 : index
    %swap3A_58 = tpu.vector_load %arg8[%swap3A_57] {strides = array<i32>} : memref<256xf32, #tpu.memory_space<vmem>>, vector<16xf32>,
    %swap3A_59 = vector.shape_cast %swap3A_58 : vector<16xf32> to vector<16xf32>
    %swap3A_60 = vector.shape_cast %broadcast_in_dim3A_56 : vector<16xf32> to vector<16xf32>
    tpu.vector_store %arg8[%swap3A_57], %swap3A_60 {strides = array<i32>} : memref<256xf32, #tpu.memory_space<vmem>>, vector<16xf32>,
    %broadcast_in_dim3A_61 = arith.constant 1.000000e+00 : f32
    %broadcast_in_dim3A_62 = vector.broadcast %broadcast_in_dim3A_61 : f32 to vector<16xf32>
    %swap3A_63 = arith.constant 144 : index
    %swap3A_64 = tpu.vector_load %arg8[%swap3A_63] {strides = array<i32>} : memref<256xf32, #tpu.memory_space<vmem>>, vector<16xf32>,
    %swap3A_65 = vector.shape_cast %swap3A_64 : vector<16xf32> to vector<16xf32>
    %swap3A_66 = vector.shape_cast %broadcast_in_dim3A_62 : vector<16xf32> to vector<16xf32>
    tpu.vector_store %arg8[%swap3A_63], %swap3A_66 {strides = array<i32>} : memref<256xf32, #tpu.memory_space<vmem>>, vector<16xf32>,
    %broadcast_in_dim3A_67 = arith.constant 1.000000e+00 : f32
    %broadcast_in_dim3A_68 = vector.broadcast %broadcast_in_dim3A_67 : f32 to vector<16xf32>
    %swap3A_69 = arith.constant 160 : index
    %swap3A_70 = tpu.vector_load %arg8[%swap3A_69] {strides = array<i32>} : memref<256xf32, #tpu.memory_space<vmem>>, vector<16xf32>,
    %swap3A_71 = vector.shape_cast %swap3A_70 : vector<16xf32> to vector<16xf32>
    %swap3A_72 = vector.shape_cast %broadcast_in_dim3A_68 : vector<16xf32> to vector<16xf32>
    tpu.vector_store %arg8[%swap3A_69], %swap3A_72 {strides = array<i32>} : memref<256xf32, #tpu.memory_space<vmem>>, vector<16xf32>,
    %broadcast_in_dim3A_73 = arith.constant 1.000000e+00 : f32
    %broadcast_in_dim3A_74 = vector.broadcast %broadcast_in_dim3A_73 : f32 to vector<16xf32>
    %swap3A_75 = arith.constant 176 : index
    %swap3A_76 = tpu.vector_load %arg8[%swap3A_75] {strides = array<i32>} : memref<256xf32, #tpu.memory_space<vmem>>, vector<16xf32>,
    %swap3A_77 = vector.shape_cast %swap3A_76 : vector<16xf32> to vector<16xf32>
    %swap3A_78 = vector.shape_cast %broadcast_in_dim3A_74 : vector<16xf32> to vector<16xf32>
    tpu.vector_store %arg8[%swap3A_75], %swap3A_78 {strides = array<i32>} : memref<256xf32, #tpu.memory_space<vmem>>, vector<16xf32>,
    %broadcast_in_dim3A_79 = arith.constant 1.000000e+00 : f32
    %broadcast_in_dim3A_80 = vector.broadcast %broadcast_in_dim3A_79 : f32 to vector<16xf32>
    %swap3A_81 = arith.constant 192 : index
    %swap3A_82 = tpu.vector_load %arg8[%swap3A_81] {strides = array<i32>} : memref<256xf32, #tpu.memory_space<vmem>>, vector<16xf32>,
    %swap3A_83 = vector.shape_cast %swap3A_82 : vector<16xf32> to vector<16xf32>
    %swap3A_84 = vector.shape_cast %broadcast_in_dim3A_80 : vector<16xf32> to vector<16xf32>
    tpu.vector_store %arg8[%swap3A_81], %swap3A_84 {strides = array<i32>} : memref<256xf32, #tpu.memory_space<vmem>>, vector<16xf32>,
    %broadcast_in_dim3A_85 = arith.constant 1.000000e+00 : f32
    %broadcast_in_dim3A_86 = vector.broadcast %broadcast_in_dim3A_85 : f32 to vector<16xf32>
    %swap3A_87 = arith.constant 208 : index
    %swap3A_88 = tpu.vector_load %arg8[%swap3A_87] {strides = array<i32>} : memref<256xf32, #tpu.memory_space<vmem>>, vector<16xf32>,
    %swap3A_89 = vector.shape_cast %swap3A_88 : vector<16xf32> to vector<16xf32>
    %swap3A_90 = vector.shape_cast %broadcast_in_dim3A_86 : vector<16xf32> to vector<16xf32>
    tpu.vector_store %arg8[%swap3A_87], %swap3A_90 {strides = array<i32>} : memref<256xf32, #tpu.memory_space<vmem>>, vector<16xf32>,
    %broadcast_in_dim3A_91 = arith.constant 1.000000e+00 : f32
    %broadcast_in_dim3A_92 = vector.broadcast %broadcast_in_dim3A_91 : f32 to vector<16xf32>
    %swap3A_93 = arith.constant 224 : index
    %swap3A_94 = tpu.vector_load %arg8[%swap3A_93] {strides = array<i32>} : memref<256xf32, #tpu.memory_space<vmem>>, vector<16xf32>,
    %swap3A_95 = vector.shape_cast %swap3A_94 : vector<16xf32> to vector<16xf32>
    %swap3A_96 = vector.shape_cast %broadcast_in_dim3A_92 : vector<16xf32> to vector<16xf32>
    tpu.vector_store %arg8[%swap3A_93], %swap3A_96 {strides = array<i32>} : memref<256xf32, #tpu.memory_space<vmem>>, vector<16xf32>,
    %broadcast_in_dim3A_97 = arith.constant 1.000000e+00 : f32
    %broadcast_in_dim3A_98 = vector.broadcast %broadcast_in_dim3A_97 : f32 to vector<16xf32>
    %swap3A_99 = arith.constant 240 : index
    %swap3A_100 = tpu.vector_load %arg8[%swap3A_99] {strides = array<i32>} : memref<256xf32, #tpu.memory_space<vmem>>, vector<16xf32>,
    %swap3A_101 = vector.shape_cast %swap3A_100 : vector<16xf32> to vector<16xf32>
    %swap3A_102 = vector.shape_cast %broadcast_in_dim3A_98 : vector<16xf32> to vector<16xf32>
    tpu.vector_store %arg8[%swap3A_99], %swap3A_102 {strides = array<i32>} : memref<256xf32, #tpu.memory_space<vmem>>, vector<16xf32>,
    %barrier3A = arith.constant 0 : index
    tpu.barrier barrier_id(%barrier3A)
    "tpu.region"() ({
      %run_scoped3A = tpu.sem_alloc : memref<!tpu.dma_semaphore, #tpu.memory_space<semaphore_mem>>
      %dma_start3A_109 = arith.constant 0 : i32
      %dma_start3A_110 = tpu.memref_slice %arg10[%dma_start3A_109] : memref<1024xf32, #tpu.memory_space<vmem_shared>> -> memref<1024xf32, #tpu.memory_space<vmem_shared>>
      tpu.enqueue_indirect_dma source(%arg8 : memref<256xf32, #tpu.memory_space<vmem>>) target(%dma_start3A_110 : memref<1024xf32, #tpu.memory_space<vmem_shared>>) offsets(%arg6 : memref<256xi32, #tpu.memory_space<vmem>>) semaphore(%run_scoped3A : memref<!tpu.dma_semaphore, #tpu.memory_space<semaphore_mem>>) {add = true}
      %dma_wait3A_111 = arith.constant 0 : i32
      %dma_wait3A_112 = tpu.memref_slice %arg10[%dma_wait3A_111] : memref<1024xf32, #tpu.memory_space<vmem_shared>> -> memref<1024xf32, #tpu.memory_space<vmem_shared>>
      tpu.wait_indirect_dma semaphore(%run_scoped3A : memref<!tpu.dma_semaphore, #tpu.memory_space<semaphore_mem>>) src(%arg8 : memref<256xf32, #tpu.memory_space<vmem>>) dst(%dma_wait3A_112 : memref<1024xf32, #tpu.memory_space<vmem_shared>>)
      tpu.yield
    }) : () -> ()
    %barrier3A_103 = arith.constant 0 : index
    tpu.barrier barrier_id(%barrier3A_103)
    %eq3A_104 = arith.constant 0 : i32
    %eq3A_105 = arith.cmpi eq, %arg1, %eq3A_104 : i32
    %convert_element_type3A_106 = arith.extui %eq3A_105 : i1 to i32
    %cond3A_107 = arith.constant 0 : i32
    %cond3A_108 = arith.cmpi ne, %convert_element_type3A_106, %cond3A_107 : i32
    scf.if %cond3A_108 {
      "tpu.region"() ({
        %run_scoped3A = tpu.sem_alloc : memref<!tpu.dma_semaphore, #tpu.memory_space<semaphore_mem>>
        %dma_start3A_109 = arith.constant 0 : i32
        %dma_start3A_110 = tpu.memref_slice %arg5[%arg0, %dma_start3A_109] : memref<2x1024xf32, #tpu.memory_space<hbm>> -> memref<1x1024xf32, #tpu.memory_space<hbm>>
        %dma_start3A_111 = tpu.memref_squeeze %dma_start3A_110 : memref<1x1024xf32, #tpu.memory_space<hbm>> -> memref<1024xf32, #tpu.memory_space<hbm>>
        tpu.enqueue_dma source(%arg10 : memref<1024xf32, #tpu.memory_space<vmem_shared>>) target(%dma_start3A_111 : memref<1024xf32, #tpu.memory_space<hbm>>) target_semaphore(%run_scoped3A : memref<!tpu.dma_semaphore, #tpu.memory_space<semaphore_mem>>)
        %dma_wait3A_112 = arith.constant 0 : i32
        %dma_wait3A_113 = tpu.memref_slice %arg5[%arg0, %dma_wait3A_112] : memref<2x1024xf32, #tpu.memory_space<hbm>> -> memref<1x1024xf32, #tpu.memory_space<hbm>>
        %dma_wait3A_114 = tpu.memref_squeeze %dma_wait3A_113 : memref<1x1024xf32, #tpu.memory_space<hbm>> -> memref<1024xf32, #tpu.memory_space<hbm>>
        tpu.wait_dma2 semaphore(%run_scoped3A : memref<!tpu.dma_semaphore, #tpu.memory_space<semaphore_mem>>) src(%arg10 : memref<1024xf32, #tpu.memory_space<vmem_shared>>) dst(%dma_wait3A_114 : memref<1024xf32, #tpu.memory_space<hbm>>)
        tpu.yield
      }) : () -> ()
    } else {
    }
    return
  }
}

module attributes {stable_mosaic.version = 14 : i64} {
  func.func @_vq_kernel(%arg0: i32, %arg1: memref<2048x64xf32, #tpu.memory_space<vmem>>, %arg2: memref<1024x64xf32, #tpu.memory_space<vmem>>, %arg3: memref<1x2048xf32, #tpu.memory_space<vmem>>, %arg4: memref<1024x1xf32, #tpu.memory_space<vmem>>, %arg5: memref<1x1x2048xi32, #tpu.memory_space<vmem>>, %arg6: memref<1x1xf32, #tpu.memory_space<smem>>, %arg7: memref<1x1xf32, #tpu.memory_space<smem>>) attributes {dimension_semantics = [#tpu.dimension_semantics<arbitrary>], iteration_bounds = array<i64: 4>, scalar_prefetch = 0 : i64, scratch_operands = 1 : i64, tpu.core_type = #tpu.core_type<tc>, window_params = [{transform_indices = @transform_0, window_bounds = array<i64: 2048, 64>}, {pipeline_mode = #tpu.pipeline_mode<synchronous>, transform_indices = @transform_1, window_bounds = array<i64: 1024, 64>}, {transform_indices = @transform_2, window_bounds = array<i64: 1, 2048>}, {pipeline_mode = #tpu.pipeline_mode<synchronous>, transform_indices = @transform_3, window_bounds = array<i64: 1024, 1>}, {transform_indices = @transform_4, window_bounds = array<i64: 1, 1, 2048>}, {transform_indices = @transform_5, window_bounds = array<i64: 1, 1>}]} {
    %get3A = arith.constant 0 : index
    %get3A_0 = arith.constant 0 : index
    %get3A_1 = vector.load %arg1[%get3A, %get3A_0] : memref<2048x64xf32, #tpu.memory_space<vmem>>, vector<2048x64xf32>
    %get3A_2 = arith.constant 0 : index
    %get3A_3 = arith.constant 0 : index
    %get3A_4 = vector.load %arg2[%get3A_2, %get3A_3] : memref<1024x64xf32, #tpu.memory_space<vmem>>, vector<1024x64xf32>
    %transpose3A = tpu.transpose %get3A_1, [1, 0] : vector<2048x64xf32> -> vector<64x2048xf32>
    %add3A = arith.addf %get3A_4, %get3A_4 : vector<1024x64xf32>
    %dot_general3A = arith.constant dense<0.000000e+00> : vector<1024x2048xf32>
    %dot_general3A_5 = tpu.matmul %add3A, %transpose3A, %dot_general3A {dimension_numbers = #tpu.dot_dimension_numbers<[1], [0], [0], [1], [0, 0, 1, 1], [], []>, transpose_lhs_hint = false} : vector<1024x64xf32>, vector<64x2048xf32>, vector<1024x2048xf32> -> vector<1024x2048xf32>
    %get3A_6 = arith.constant 0 : index
    %get3A_7 = arith.constant 0 : index
    %get3A_8 = vector.load %arg3[%get3A_6, %get3A_7] : memref<1x2048xf32, #tpu.memory_space<vmem>>, vector<1x2048xf32>
    %sub3A = vector.broadcast %get3A_8 : vector<1x2048xf32> to vector<1024x2048xf32>
    %sub3A_9 = arith.subf %sub3A, %dot_general3A_5 : vector<1024x2048xf32>
    %get3A_10 = arith.constant 0 : index
    %get3A_11 = arith.constant 0 : index
    %get3A_12 = vector.load %arg4[%get3A_10, %get3A_11] : memref<1024x1xf32, #tpu.memory_space<vmem>>, vector<1024x1xf32>
    %add3A_13 = vector.broadcast %get3A_12 : vector<1024x1xf32> to vector<1024x2048xf32>
    %add3A_14 = arith.addf %sub3A_9, %add3A_13 : vector<1024x2048xf32>
    %reduce_min3A = arith.constant dense<0x7F800000> : vector<2048xf32>
    %reduce_min3A_15 = vector.multi_reduction <minimumf>, %add3A_14, %reduce_min3A [0] : vector<1024x2048xf32> to vector<2048xf32>
    %iota3A = tpu.iota {dimensions = array<i32: 0>} : vector<1024x2048xi32>
    %broadcast_in_dim3A = vector.shape_cast %reduce_min3A_15 : vector<2048xf32> to vector<1x2048xf32>
    %eq3A = vector.broadcast %broadcast_in_dim3A : vector<1x2048xf32> to vector<1024x2048xf32>
    %eq3A_16 = arith.cmpf oeq, %add3A_14, %eq3A : vector<1024x2048xf32>
    %jit3A = arith.constant 1024 : i32
    %broadcast_in_dim3A_17 = vector.broadcast %jit3A : i32 to vector<1024x2048xi32>
    %select_n3A = arith.select %eq3A_16, %iota3A, %broadcast_in_dim3A_17 : vector<1024x2048xi1>, vector<1024x2048xi32>
    %reduce_min3A_18 = arith.constant dense<2147483647> : vector<2048xi32>
    %reduce_min3A_19 = vector.multi_reduction <minsi>, %select_n3A, %reduce_min3A_18 [0] : vector<1024x2048xi32> to vector<2048xi32>
    %swap3A = arith.constant 0 : index
    %swap3A_20 = arith.constant 0 : index
    %swap3A_21 = arith.constant 0 : index
    %swap3A_22 = vector.load %arg5[%swap3A, %swap3A_20, %swap3A_21] : memref<1x1x2048xi32, #tpu.memory_space<vmem>>, vector<1x1x2048xi32>
    %swap3A_23 = vector.shape_cast %swap3A_22 : vector<1x1x2048xi32> to vector<2048xi32>
    %swap3A_24 = vector.shape_cast %reduce_min3A_19 : vector<2048xi32> to vector<1x1x2048xi32>
    tpu.vector_store %arg5[%swap3A, %swap3A_20, %swap3A_21], %swap3A_24 {strides = array<i32>} : memref<1x1x2048xi32, #tpu.memory_space<vmem>>, vector<1x1x2048xi32>,
    %reduce_sum3A = vector.shape_cast %reduce_min3A_15 : vector<2048xf32> to vector<1x2048xf32>
    %reduce_sum3A_25 = arith.constant dense<0.000000e+00> : vector<1xf32>
    %reduce_sum3A_26 = vector.multi_reduction <add>, %reduce_sum3A, %reduce_sum3A_25 [1] : vector<1x2048xf32> to vector<1xf32>
    %reduce_sum3A_27 = vector.shape_cast %reduce_sum3A_26 : vector<1xf32> to vector<1x1xf32>
    %reduce_sum3A_28 = vector.extract %reduce_sum3A_27[0, 0] : f32 from vector<1x1xf32>
    %eq3A_29 = arith.constant 0 : i32
    %eq3A_30 = arith.cmpi eq, %arg0, %eq3A_29 : i32
    %convert_element_type3A = arith.extui %eq3A_30 : i1 to i32
    %cond3A = arith.constant 0 : i32
    %cond3A_31 = arith.cmpi ne, %convert_element_type3A, %cond3A : i32
    scf.if %cond3A_31 {
      %swap3A_44 = arith.constant 0.000000e+00 : f32
      %swap3A_45 = arith.constant 0 : index
      %swap3A_46 = arith.constant 0 : index
      %swap3A_47 = memref.load %arg7[%swap3A_45, %swap3A_46] : memref<1x1xf32, #tpu.memory_space<smem>>
      memref.store %swap3A_44, %arg7[%swap3A_45, %swap3A_46] : memref<1x1xf32, #tpu.memory_space<smem>>
    } else {
    }
    %get3A_32 = arith.constant 0 : index
    %get3A_33 = arith.constant 0 : index
    %get3A_34 = memref.load %arg7[%get3A_32, %get3A_33] : memref<1x1xf32, #tpu.memory_space<smem>>
    %add3A_35 = arith.addf %get3A_34, %reduce_sum3A_28 : f32
    %swap3A_36 = arith.constant 0 : index
    %swap3A_37 = arith.constant 0 : index
    %swap3A_38 = memref.load %arg7[%swap3A_36, %swap3A_37] : memref<1x1xf32, #tpu.memory_space<smem>>
    memref.store %add3A_35, %arg7[%swap3A_36, %swap3A_37] : memref<1x1xf32, #tpu.memory_space<smem>>
    %eq3A_39 = arith.constant 3 : i32
    %eq3A_40 = arith.cmpi eq, %arg0, %eq3A_39 : i32
    %convert_element_type3A_41 = arith.extui %eq3A_40 : i1 to i32
    %cond3A_42 = arith.constant 0 : i32
    %cond3A_43 = arith.cmpi ne, %convert_element_type3A_41, %cond3A_42 : i32
    scf.if %cond3A_43 {
      %get3A_44 = arith.constant 0 : index
      %get3A_45 = arith.constant 0 : index
      %get3A_46 = memref.load %arg7[%get3A_44, %get3A_45] : memref<1x1xf32, #tpu.memory_space<smem>>
      %div3A = arith.constant 5.242880e+05 : f32
      %div3A_47 = arith.divf %get3A_46, %div3A : f32
      %swap3A_48 = arith.constant 0 : index
      %swap3A_49 = arith.constant 0 : index
      %swap3A_50 = memref.load %arg6[%swap3A_48, %swap3A_49] : memref<1x1xf32, #tpu.memory_space<smem>>
      memref.store %div3A_47, %arg6[%swap3A_48, %swap3A_49] : memref<1x1xf32, #tpu.memory_space<smem>>
    } else {
    }
    return
  }
  func.func @transform_0(%arg0: i32) -> (i32, i32) {
    %c0_i32 = arith.constant 0 : i32
    %c0_i32_0 = arith.constant 0 : i32
    return %arg0, %c0_i32 : i32, i32
  }
  func.func @transform_1(%arg0: i32) -> (i32, i32) {
    %c0_i32 = arith.constant 0 : i32
    %c0_i32_0 = arith.constant 0 : i32
    %c0_i32_1 = arith.constant 0 : i32
    return %c0_i32, %c0_i32_0 : i32, i32
  }
  func.func @transform_2(%arg0: i32) -> (i32, i32) {
    %c0_i32 = arith.constant 0 : i32
    %c0_i32_0 = arith.constant 0 : i32
    return %c0_i32, %arg0 : i32, i32
  }
  func.func @transform_3(%arg0: i32) -> (i32, i32) {
    %c0_i32 = arith.constant 0 : i32
    %c0_i32_0 = arith.constant 0 : i32
    %c0_i32_1 = arith.constant 0 : i32
    return %c0_i32, %c0_i32_0 : i32, i32
  }
  func.func @transform_4(%arg0: i32) -> (i32, i32, i32) {
    %c0_i32 = arith.constant 0 : i32
    %c0_i32_0 = arith.constant 0 : i32
    %c0_i32_1 = arith.constant 0 : i32
    return %arg0, %c0_i32, %c0_i32_0 : i32, i32, i32
  }
  func.func @transform_5(%arg0: i32) -> (i32, i32) {
    %c0_i32 = arith.constant 0 : i32
    %c0_i32_0 = arith.constant 0 : i32
    %c0_i32_1 = arith.constant 0 : i32
    return %c0_i32, %c0_i32_0 : i32, i32
  }
}

module attributes {stable_mosaic.version = 14 : i64} {
  func.func @_perp_kernel(%arg0: memref<2x1024xf32, #tpu.memory_space<vmem>>, %arg1: memref<1x1xf32, #tpu.memory_space<smem>>) attributes {dimension_semantics = [], scalar_prefetch = 0 : i64, scratch_operands = 0 : i64, tpu.core_type = #tpu.core_type<tc>} {
    %get3A = arith.constant 0 : index
    %get3A_0 = arith.constant 0 : index
    %get3A_1 = vector.load %arg0[%get3A, %get3A_0] : memref<2x1024xf32, #tpu.memory_space<vmem>>, vector<1x1024xf32>
    %get3A_2 = vector.shape_cast %get3A_1 : vector<1x1024xf32> to vector<1024xf32>
    %get3A_3 = arith.constant 1 : index
    %get3A_4 = arith.constant 0 : index
    %get3A_5 = vector.load %arg0[%get3A_3, %get3A_4] : memref<2x1024xf32, #tpu.memory_space<vmem>>, vector<1x1024xf32>
    %get3A_6 = vector.shape_cast %get3A_5 : vector<1x1024xf32> to vector<1024xf32>
    %add3A = arith.addf %get3A_2, %get3A_6 : vector<1024xf32>
    %mul3A = arith.constant 1.22070313E-4 : f32
    %mul3A_7 = vector.broadcast %mul3A : f32 to vector<1024xf32>
    %mul3A_8 = arith.mulf %add3A, %mul3A_7 : vector<1024xf32>
    %add3A_9 = arith.constant 1.000000e-10 : f32
    %add3A_10 = vector.broadcast %add3A_9 : f32 to vector<1024xf32>
    %add3A_11 = arith.addf %mul3A_8, %add3A_10 : vector<1024xf32>
    %log3A = math.log %add3A_11 : vector<1024xf32>
    %mul3A_12 = arith.mulf %mul3A_8, %log3A : vector<1024xf32>
    %reduce_sum3A = vector.shape_cast %mul3A_12 : vector<1024xf32> to vector<1x1024xf32>
    %reduce_sum3A_13 = arith.constant dense<0.000000e+00> : vector<1xf32>
    %reduce_sum3A_14 = vector.multi_reduction <add>, %reduce_sum3A, %reduce_sum3A_13 [1] : vector<1x1024xf32> to vector<1xf32>
    %reduce_sum3A_15 = vector.shape_cast %reduce_sum3A_14 : vector<1xf32> to vector<1x1xf32>
    %reduce_sum3A_16 = vector.extract %reduce_sum3A_15[0, 0] : f32 from vector<1x1xf32>
    %neg3A = arith.constant 0.000000e+00 : f32
    %neg3A_17 = arith.subf %neg3A, %reduce_sum3A_16 : f32
    %exp3A = math.exp %neg3A_17 : f32
    %swap3A = arith.constant 0 : index
    %swap3A_18 = arith.constant 0 : index
    %swap3A_19 = memref.load %arg1[%swap3A, %swap3A_18] : memref<1x1xf32, #tpu.memory_space<smem>>
    memref.store %exp3A, %arg1[%swap3A, %swap3A_18] : memref<1x1xf32, #tpu.memory_space<smem>>
    return
  }
}

</mosaic_0001>

<sc_bundles>
// kernel: kernel.5.cloned.1.call-start
scs
__scs_entry_jumppad:
0x0: {  	(pc) =	sbr.rel $0x88, $3  }
0x1: {  	(tag) =	ssettag $0x0;
	lr =	simm.s32 $0x1  }
0x2: {  	[smem:$0x3F9F] =	sst lr;
	_ =	strace $0xD0000000  }
0x3: {  	_ = 	snop  }
0x4: {  	_ = 	snop  }
0x5: {  	_ = 	snop  }
0x6: {  	_ = 	snop  }
0x7: {  	_ = 	snop  }
__scs_overlays_trampoline_lowered:
0x8: {  	[smem:$0x3FAE] =	sst s0  }
0x9: {  	[smem:$0x3FAF] =	sst s1  }
0xa: {  	[smem:$0x3FB0] =	sst s2  }
0xb: {  	[smem:$0x3FB1] =	sst s3  }
0xc: {  	[smem:$0x3FB2] =	sst s4  }
0xd: {  	[smem:$0x3FB3] =	sst s5  }
0xe: {  	[smem:$0x3FB4] =	sst s6  }
0xf: {  	[smem:$0x3FB5] =	sst s7  }
0x10: {  	[smem:$0x3FB6] =	sst s8  }
0x11: {  	[smem:$0x3FB7] =	sst s9;
	s0 =	simm.s32 @!p0 $0x0  }
0x12: {  	s1 =	sld [smem:$0x3F9D];
	s0 =	simm.s32 @p0 $0x1  }
0x13: {  	[smem:$0x3FB8] =	sst s0;
	s0 =	simm.s32 @!p1 $0x0  }
0x14: {  	s2 =	sld [smem:$0x3F9C];
	s0 =	simm.s32 @p1 $0x1  }
0x15: {  	[smem:$0x3FB9] =	sst s0;
	s0 =	simm.s32 @!p2 $0x0  }
0x16: {  	s3 =	sld [smem:$0x3FDB];
	s0 =	simm.s32 @p2 $0x1  }
0x17: {  	s4 =	simm.s32 $0x1BF5;
	[smem:$0x3FBB] =	sst s0  }
0x18: {  	s0 =	sld [smem:$0x3F9E];
	_ =	swait.ge [sflag:s4], $0x0  }
0x19: {  	s7 =	sld [smem:$0x3F9F]  }
0x1a: {  	s8 =	sadd.s32 $0xFFFFE003, lr  }
0x1b: {  	s9 =	sadd.s32 $0xFFFFFEF7, lr;
	s5 =	simm.s32 $0xFFFFFFFF;
	p2 =	slt.u32 s8, $0xFFFFF086  }
0x1c: {  	p1 =	slt.u32 s9, $0xF7A;
	s5 =	simm.s32 @!p2 $0x0  }
0x1d: {  	s5 =	simm.s32 @p1 $0x1;
	p0 =	seq.s32 s7, s2  }
0x1e: {  	s7 =	smul.u32 @!p0 $0xF7A, s2;
	p2 =	seq.s32 @!p0 s5, $0x0  }
0x1f: {  	s9 =	smul.u32 $0xF7A, s1;
	s8 =	simm.s32 @!p0 $0x1BF5;
	p2 =	por !p2, p0  }
0x20: {  	[sflag:s8] =	ssyncset.s32 @!p0 $0xFFFFF086;
	s6 =	sadd.s32 @!p0 s3, s7;
	s7 =	simm.s32 @!p0 $0x108  }
0x21: {  	s3 =	sadd.s32 s3, s9;
	s6 =	sadd.s32 @!p0 $0x88, s6;
	s7 =	simm.s32 @p2 $0x1082  }
0x22: {  	[simem:s7], [sflag:s8] =	dma.local @!p0 [hbm:s6], $0xF7A  }
0x23: {  	s9 =	sor.u32 $0xD0000000, s2;
	s6 =	simm.s32 $0x108;
	_ =	swait.ge @!p0 [sflag:s8], $0x0  }
0x24: {  	s3 =	sadd.s32 $0x88, s3;
	s6 =	simm.s32 @!p1 $0x1082;
	[sflag:s4] =	ssyncset.s32 $0xFFFFF086  }
0x25: {  	[simem:s6], [sflag:s4] =	dma.local [hbm:s3], $0xF7A  }
0x26: {  	[smem:$0x3F9F] =	sst s1;
	(tag) =	ssettag s2;
	_ =	strace s9  }
0x27: {  	s1 =	sld [smem:$0x3FAF]  }
0x28: {  	s2 =	sld [smem:$0x3FB0]  }
0x29: {  	s4 =	sld [smem:$0x3FB2]  }
0x2a: {  	p0 =	seq.s32 s5, $0x0;
	s5 =	sld [smem:$0x3FB3]  }
0x2b: {  	s6 =	sld [smem:$0x3FB4]  }
0x2c: {  	s7 =	sld [smem:$0x3FB5]  }
0x2d: {  	s3 =	simm.s32 $0x108;
	s8 =	sld [smem:$0x3FB6]  }
0x2e: {  	s3 =	simm.s32 @!p0 $0x1082;
	s9 =	sld [smem:$0x3FB7]  }
0x2f: {  	lr =	sadd.s32 s0, s3;
	s0 =	sld [smem:$0x3FAE]  }
0x30: {  	s3 =	sld [smem:$0x3FB1]  }
0x31: {  	[smem:$0x3FBA] =	sst s10  }
0x32: {  	s10 =	sld [smem:$0x3FB8];
	_ =	sdelay $0x3  }
0x33: {  	p0 =	seq.s32 s10, $0x1;
	s10 =	sld [smem:$0x3FBA];
	_ =	sdelay $0x3  }
0x34: {  	[smem:$0x3FBA] =	sst s10  }
0x35: {  	s10 =	sld [smem:$0x3FB9];
	_ =	sdelay $0x3  }
0x36: {  	p1 =	seq.s32 s10, $0x1;
	s10 =	sld [smem:$0x3FBA];
	_ =	sdelay $0x3  }
0x37: {  	[smem:$0x3FBA] =	sst s10  }
0x38: {  	s10 =	sld [smem:$0x3FBB]  }
0x39: {  	_ = 	snop;
	(pc) =	sbr.ind lr, $3  }
0x3a: {  	_ = 	snop  }
0x3b: {  	_ = 	snop  }
0x3c: {  	p2 =	seq.s32 s10, $0x1;
	s10 =	sld [smem:$0x3FBA]  }
0x3d: {  	_ =	shalt  }
0x3e: {  	_ =	shalt  }
0x3f: {  	_ =	shalt  }
0x40: {  	_ =	shalt  }
0x41: {  	_ =	shalt  }
0x42: {  	_ =	shalt  }
0x43: {  	_ =	shalt  }
0x44: {  	_ =	shalt  }
0x45: {  	_ =	shalt  }
0x46: {  	_ =	shalt  }
0x47: {  	_ =	shalt  }
0x48: {  	_ =	shalt  }
0x49: {  	_ =	shalt  }
0x4a: {  	_ =	shalt  }
0x4b: {  	_ =	shalt  }
0x4c: {  	_ =	shalt  }
0x4d: {  	_ =	shalt  }
0x4e: {  	_ =	shalt  }
0x4f: {  	_ =	shalt  }
0x50: {  	_ =	shalt  }
0x51: {  	_ =	shalt  }
0x52: {  	_ =	shalt  }
0x53: {  	_ =	shalt  }
0x54: {  	_ =	shalt  }
0x55: {  	_ =	shalt  }
0x56: {  	_ =	shalt  }
0x57: {  	_ =	shalt  }
0x58: {  	_ =	shalt  }
0x59: {  	_ =	shalt  }
0x5a: {  	_ =	shalt  }
0x5b: {  	_ =	shalt  }
0x5c: {  	_ =	shalt  }
0x5d: {  	_ =	shalt  }
0x5e: {  	_ =	shalt  }
0x5f: {  	_ =	shalt  }
0x60: {  	_ =	shalt  }
0x61: {  	_ =	shalt  }
0x62: {  	_ =	shalt  }
0x63: {  	_ =	shalt  }
0x64: {  	_ =	shalt  }
0x65: {  	_ =	shalt  }
0x66: {  	_ =	shalt  }
0x67: {  	_ =	shalt  }
0x68: {  	_ =	shalt  }
0x69: {  	_ =	shalt  }
0x6a: {  	_ =	shalt  }
0x6b: {  	_ =	shalt  }
0x6c: {  	_ =	shalt  }
0x6d: {  	_ =	shalt  }
0x6e: {  	_ =	shalt  }
0x6f: {  	_ =	shalt  }
0x70: {  	_ =	shalt  }
0x71: {  	_ =	shalt  }
0x72: {  	_ =	shalt  }
0x73: {  	_ =	shalt  }
0x74: {  	_ =	shalt  }
0x75: {  	_ =	shalt  }
0x76: {  	_ =	shalt  }
0x77: {  	_ =	shalt  }
0x78: {  	_ =	shalt  }
0x79: {  	_ =	shalt  }
0x7a: {  	_ =	shalt  }
0x7b: {  	_ =	shalt  }
0x7c: {  	_ =	shalt  }
0x7d: {  	_ =	shalt  }
0x7e: {  	_ =	shalt  }
0x7f: {  	_ =	shalt  }
0x80: {  	_ =	shalt  }
0x81: {  	_ =	shalt  }
0x82: {  	_ =	shalt  }
0x83: {  	_ =	shalt  }
0x84: {  	_ =	shalt  }
0x85: {  	_ =	shalt  }
0x86: {  	_ =	shalt  }
0x87: {  	_ =	shalt  }
.Lfunc_end0:
.L_simem_size_0:
called_computation_lowered:
.L_overlay_start_0:
0x88: {  	s2 =	sld [smem:$0x3FD9]  }
0x89: {  	s3 =	sld [smem:$0x3FFE];
	_ =	sdelay $0x1  }
0x8a: {  	s1 =	srdreg.scid  }
0x8b: {  	s0 =	sand.u32 $0x1, s1  }
0x8c: {  	s14 =	sshll.u32 s0, $0xA;
	s2 =	sadd.s32 s3, s2  }
0x8d: {  	s2 =	sadd.s32 s2, s14  }
0x8e: {  	[smem:$0x3FC6] =	sst s2  }
0x8f: {  	_ = 	snop  }
0x90: {  	s2 =	sld [smem:$0x3FD0];
	_ =	sdelay $0x2  }
0x91: {  	s15 =	simm.s32 $0xA;
	s4 =	simm.s32 $0x10  }
0x92: {  	[smem:s4], [sflag:s15] =	dma.local [hbm:s2], $0x1  }
0x93: {  	_ =	swait.eq [sflag:s15], $0x1  }
0x94: {  	[sflag:s15] =	ssyncset.done $0x0  }
0x95: {  	[sflag:s15] =	ssyncadd.s32 $0xFFFFFFFF  }
0x96: {  	s16 =	sld [smem:$0x10];
	(tm) =	ssettm $0x1  }
0x97: {  	s17 =	sld [smem:$0x3FFB];
	_ =	sdelay $0x3  }
0x98: {  	_ =	strace s17  }
0x99: {  	s3 =	sld [smem:$0x3FFC];
	_ =	sdelay $0x3  }
0x9a: {  	_ =	strace s3  }
0x9b: {  	s3 =	sld [smem:$0x3FFD];
	_ =	sdelay $0x3  }
0x9c: {  	_ =	strace s3  }
0x9d: {  	_ =	strace $0x8FFFFFFF  }
0x9e: {  	s18 =	sld [smem:$0x3FDB];
	_ =	sdelay $0x1  }
0x9f: {  	s19 =	simm.s32 $_scs_section_size  }
0xa0: {  	s5 =	simm.s32 $_size__tile_overlayer_lowered;
	s6 =	simm.s32 $_tile_overlayer_lowered  }
0xa1: {  	s22 =	simm.s32 $0x1BFF;
	s21 =	sshll.u32 s6, $0x1;
	s3 =	sadd.s32 s19, s18  }
0xa2: {  	s7 =	simm.s32 $0x0;
	s20 =	sshll.u32 s5, $0x1;
	s5 =	sadd.s32 s21, s3  }
0xa3: {  	[timem:s7], [sflag:s22] =	dma.local [hbm:s5], s20  }
0xa4: {  	_ =	swait.ge [sflag:s22], s20  }
0xa5: {  	s4 =	ssub.s32 $0x0, s20;
	[sflag:s22] =	ssyncset.done $0x0  }
0xa6: {  	[sflag:s22] =	ssyncadd.s32 s4;
	_ =	sdelay $0x1  }
0xa7: {  	s23 =	simm.s32 $0x1B8B  }
0xa8: {  	_ =	swait.ge [sflag:s23], $0x1  }
0xa9: {  	[sflag:s23] =	ssyncset.done $0x0  }
0xaa: {  	s25 =	simm.s32 $0x1B8E;
	s24 =	sld [smem:$0x3FFE];
	[sflag:s23] =	ssyncadd.s32 $0xFFFFFFFF  }
0xab: {  	s26 =	simm.s32 $execute0_lowered;
	[smem:$0x3FD2] =	sst s25  }
0xac: {  	s5 =	sshll.u32 s26, $0x1;
	_ =	strace $0x80000046;
	[dreg:$0x1] =	wrdreg $0xFFFFFFFF  }
0xad: {  	s28 =	simm.s32 $_size_execute0_lowered;
	s3 =	sadd.s32 s3, s5;
	[dreg:$0x0] =	wrdreg $0x0  }
0xae: {  	s5 =	sshll.u32 s28, $0x1;
	[dreg:$0x2] =	wrdreg s3  }
0xaf: {  	[dreg:$0x3] =	wrdreg s5  }
0xb0: {  	[dreg:$0x4] =	wrdreg $0xC0  }
0xb1: {  	_ =	task [dreg:s7], $0x5FFFF  }
0xb2: {  	[dreg:$0x1] =	wrdreg $0xFFFFFFFF  }
0xb3: {  	[dreg:$0x0] =	wrdreg $0x60  }
0xb4: {  	[dreg:$0x2] =	wrdreg s16  }
0xb5: {  	[dreg:$0x3] =	wrdreg s24  }
0xb6: {  	[dreg:$0x4] =	wrdreg $0x86000  }
0xb7: {  	[dreg:$0x5] =	wrdreg $0x9  }
0xb8: {  	_ =	task.clear_ibuf [dreg:s7], $0x6FFFF;
	_ =	strace $0x90000046  }
0xb9: {  	s29 =	simm.s32 $0x9;
	_ =	strace $0x80000048  }
0xba: {  	_ =	swait.ge [sflag:s29], $0x1  }
0xbb: {  	[sflag:s29] =	ssyncadd.s32 $0xFFFFFFFF  }
0xbc: {  	_ =	strace $0x90000048  }
0xbd: {  	_ =	sfence  }
0xbe: {  	s30 =	sld [smem:$0x0];
	_ =	sdelay $0x2  }
0xbf: {  	s31 =	sshll.u32 s1, $0xD;
	s1 =	sshrl.u32 s1, $0x2  }
0xc0: {  	s3 =	sand.u32 $0x4000, s31;
	s1 =	sadd.s32 s1, s30  }
0xc1: {  	s0 =	sor.u32 s3, s0;
	s1 =	sshll.u32 s1, $0x11  }
0xc2: {  	s0 =	sor.u32 s1, s0  }
0xc3: {  	s0 =	sadd.s32 $0x8F2B, s0  }
0xc4: {  	[sflag:s0] =	ssyncadd.remote.s32 $0x1  }
0xc5: {  	_ =	sfence.sel $0xFFFF  }
0xc6: {  	[dreg:$0x0] =	wrdreg $0xFFFFFFFF;
	(pc) =	sbr.abs _section_cstart, $3  }
0xc7: {  	[dreg:$0x1] =	wrdreg $0xFFFFFFFF  }
0xc8: {  	_ =	task.clear_ibuf [dreg:s7], $0x2FFFF;
	_ =	strace $0x9FFFFFFF  }
0xc9: {  	(tm) =	ssettm $0x7FFFFFFF  }
tec
execute0_lowered:
.L_overlay_start_1:
0x0: {  	(tag) =	ssettag $0x1  }
0x1: {  	s1 =	rddreg [dreg:$0x0]  }
0x2: {  	s4 =	rddreg [dreg:$0x1]  }
0x3: {  	s2 =	rddreg [dreg:$0x2];
	s3 =	srdreg.scid  }
0x4: {  	s0 =	rddreg [dreg:$0x3];
	s8 =	stileid.u32  }
0x5: {  	s11 =	simm.s32 $0x8200;
	s12 =	simm.s32 $0x8100;
	s5 =	sand.u32 $0x1, s3  }
0x6: {  	s3 =	simm.s32 $0x0;
	s6 =	sshll.u32 s8, $0x9;
	p0 =	sne.s32 s8, $0x0  }
0x7: {  	s8 =	simm.s32 $0x2;
	s7 =	sshll.u32 s5, $0x8;
	[smem:$0x7FF] =	sst s3  }
0x8: {  	s9 =	sshll.u32 s5, $0x4;
	s5 =	ssub.s32 $0x2, s5;
	s13 =	sshrl.u32 @!p0 s2, $0x3  }
.Ltmp0:
0x9: {  	s6 =	sor.u32 s7, s6;
	_ =	strace $0x80000047;
	(pc) =	sbr.rel .LBB2_1-.Ltmp0, $4  }
0xa: {  	s9 =	sadd.s32 s9, s4;
	s10 =	sshrl.u32 s5, $0x1;
	s7 =	sshll.u32 s6, $0x4  }
0xb: {  	s6 =	sshrl.u32 s6, $0x3;
	s10 =	ssub.s32 s5, s10;
	s7 =	sadd.s32 s7, s4  }
0xc: {  	s4 =	sadd.s32 s4, s6;
	s6 =	sadd.s32 $0x400, s9;
	s9 =	simm.s32 $0x100  }
0xd: {  	v0 =	vimm.f32 $0.0e+00;
	v1 =	vimm.f32 $1.000000000e+00;
	s5 =	sadd.s32 $0x600, s7;
	s7 =	smax.u32 s10, $0x1;
	s10 =	simm.s32 $0x1  }
.LBB2_3:
0xe: {  	[tilespmem:$0x8100] =	vst v1  }
0xf: {  	[tilespmem:$0x8110] =	vst v1  }
0x10: {  	[tilespmem:$0x8120] =	vst v1  }
0x11: {  	[tilespmem:$0x8130] =	vst v1  }
0x12: {  	[tilespmem:$0x8140] =	vst v1  }
0x13: {  	[tilespmem:$0x8150] =	vst v1  }
0x14: {  	[tilespmem:$0x8160] =	vst v1  }
0x15: {  	[tilespmem:$0x8170] =	vst v1  }
0x16: {  	[tilespmem:$0x8180] =	vst v1  }
0x17: {  	[tilespmem:$0x8190] =	vst v1  }
0x18: {  	[tilespmem:$0x81A0] =	vst v1  }
0x19: {  	[tilespmem:$0x81B0] =	vst v1  }
0x1a: {  	[tilespmem:$0x81C0] =	vst v1  }
0x1b: {  	[tilespmem:$0x81D0] =	vst v1  }
0x1c: {  	[tilespmem:$0x81E0] =	vst v1  }
0x1d: {  	[tilespmem:$0x81F0] =	vst v1  }
0x1e: {  	[bflag:$0x0] =	sbarrier.arrive $0xFFFF  }
0x1f: {  	[spmem:s2] =	stream.indirect.scatter.add.f32 [tilespmem:s12], [sflag:$0x2], $0x1, s3, s9, $0xb8;
	[tilespmem:$0x8640] =	vst v63  }
0x20: {  	_ =	swait.ge [sflag:s8], $0x100  }
0x21: {  	s14 =	simm.s32 @!p0 $0x1;
	s15 =	simm.s32 @!p0 $0x20;
	[sflag:s8] =	ssyncset.done $0x0  }
0x22: {  	s16 =	simm.s32 @!p0 $0x10;
	s7 =	sadd.s32 $0xFFFFFFFF, s7;
	[sflag:s8] =	ssyncadd.s32 $0xFFFFFF00  }
0x23: {  	s17 =	simm.s32 @!p0 $0x1C02;
	p1 =	sne.s32 s7, $0x0;
	[bflag:$0x0] =	sbarrier.arrive $0xFFFF  }
0x24: {  	[hbm:s6@s15], [sflag:s17] =	dma.strided @!p0 [spmem:s13@s16], $0x80, s14, $0x10   }
.Ltmp1:
0x25: {  	_ = 	snop;
	(pc) =	sbr.rel @!p1 .LBB2_4-.Ltmp1, $4  }
0x26: {  	s14 =	simm.s32 @!p0 $0x2  }
0x27: {  	_ =	swait.ge @!p0 [sflag:s14], $0x80  }
0x28: {  	[sflag:s14] =	ssyncset.done @!p0 $0x0  }
0x29: {  	[sflag:s14] =	ssyncadd.s32 @!p0 $0xFFFFFF80  }
.LBB2_1:
0x2a: {  	[tilespmem:s3], [sflag:$0x2] =	stream.linear.gather [hbm4b:s4+s3], $0x100, $0x38;
	[tilespmem:$0x8640] =	vst v63  }
0x2b: {  	_ =	swait.ge [sflag:s8], $0x100  }
0x2c: {  	[sflag:s8] =	ssyncset.done $0x0  }
0x2d: {  	[sflag:s8] =	ssyncadd.s32 $0xFFFFFF00  }
0x2e: {  	[tilespmem:s9], [sflag:$0x1] =	stream.indirect.gather [hbm4b:s1+s9], $0x80, s3, s9, $0xb8;
	[tilespmem:$0x8640] =	vst v63  }
0x2f: {  	_ =	swait.ge [sflag:s10], $0x8000  }
0x30: {  	[sflag:s10] =	ssyncset.done $0x0  }
.Ltmp2:
0x31: {  	[sflag:s10] =	ssyncadd.s32 $0xFFFF8000;
	(pc) =	sbr.rel @p0 .LBB2_3-.Ltmp2, $4  }
0x32: {  	[hbm4b:s5+s3] =	stream.linear.scatter [tilespmem:s9], [sflag:$0x2], $0x8000, $0x38;
	[tilespmem:$0x8640] =	vst v63  }
0x33: {  	_ =	swait.ge [sflag:s8], $0x8000  }
0x34: {  	[sflag:s8] =	ssyncset.done $0x0  }
0x35: {  	[sflag:s8] =	ssyncadd.s32 $0xFFFF8000  }
0x36: {  	[tilespmem:$0x8200] =	vst v0  }
0x37: {  	[tilespmem:$0x8210] =	vst v0  }
0x38: {  	[tilespmem:$0x8220] =	vst v0  }
0x39: {  	[tilespmem:$0x8230] =	vst v0  }
0x3a: {  	[tilespmem:$0x8240] =	vst v0  }
0x3b: {  	[tilespmem:$0x8250] =	vst v0  }
0x3c: {  	[tilespmem:$0x8260] =	vst v0  }
0x3d: {  	[tilespmem:$0x8270] =	vst v0  }
0x3e: {  	[tilespmem:$0x8280] =	vst v0  }
0x3f: {  	[tilespmem:$0x8290] =	vst v0  }
0x40: {  	[tilespmem:$0x82A0] =	vst v0  }
0x41: {  	[tilespmem:$0x82B0] =	vst v0  }
0x42: {  	[tilespmem:$0x82C0] =	vst v0  }
0x43: {  	[tilespmem:$0x82D0] =	vst v0  }
0x44: {  	[tilespmem:$0x82E0] =	vst v0  }
0x45: {  	[tilespmem:$0x82F0] =	vst v0  }
0x46: {  	[tilespmem:$0x8300] =	vst v0  }
0x47: {  	[tilespmem:$0x8310] =	vst v0  }
0x48: {  	[tilespmem:$0x8320] =	vst v0  }
0x49: {  	[tilespmem:$0x8330] =	vst v0  }
0x4a: {  	[tilespmem:$0x8340] =	vst v0  }
0x4b: {  	[tilespmem:$0x8350] =	vst v0  }
0x4c: {  	[tilespmem:$0x8360] =	vst v0  }
0x4d: {  	[tilespmem:$0x8370] =	vst v0  }
0x4e: {  	[tilespmem:$0x8380] =	vst v0  }
0x4f: {  	[tilespmem:$0x8390] =	vst v0  }
0x50: {  	[tilespmem:$0x83A0] =	vst v0  }
0x51: {  	[tilespmem:$0x83B0] =	vst v0  }
0x52: {  	[tilespmem:$0x83C0] =	vst v0  }
0x53: {  	[tilespmem:$0x83D0] =	vst v0  }
0x54: {  	[tilespmem:$0x83E0] =	vst v0  }
0x55: {  	[tilespmem:$0x83F0] =	vst v0  }
0x56: {  	[tilespmem:$0x8400] =	vst v0  }
0x57: {  	[tilespmem:$0x8410] =	vst v0  }
0x58: {  	[tilespmem:$0x8420] =	vst v0  }
0x59: {  	[tilespmem:$0x8430] =	vst v0  }
0x5a: {  	[tilespmem:$0x8440] =	vst v0  }
0x5b: {  	[tilespmem:$0x8450] =	vst v0  }
0x5c: {  	[tilespmem:$0x8460] =	vst v0  }
0x5d: {  	[tilespmem:$0x8470] =	vst v0  }
0x5e: {  	[tilespmem:$0x8480] =	vst v0  }
0x5f: {  	[tilespmem:$0x8490] =	vst v0  }
0x60: {  	[tilespmem:$0x84A0] =	vst v0  }
0x61: {  	[tilespmem:$0x84B0] =	vst v0  }
0x62: {  	[tilespmem:$0x84C0] =	vst v0  }
0x63: {  	[tilespmem:$0x84D0] =	vst v0  }
0x64: {  	[tilespmem:$0x84E0] =	vst v0  }
0x65: {  	[tilespmem:$0x84F0] =	vst v0  }
0x66: {  	[tilespmem:$0x8500] =	vst v0  }
0x67: {  	[tilespmem:$0x8510] =	vst v0  }
0x68: {  	[tilespmem:$0x8520] =	vst v0  }
0x69: {  	[tilespmem:$0x8530] =	vst v0  }
0x6a: {  	[tilespmem:$0x8540] =	vst v0  }
0x6b: {  	[tilespmem:$0x8550] =	vst v0  }
0x6c: {  	[tilespmem:$0x8560] =	vst v0  }
0x6d: {  	[tilespmem:$0x8570] =	vst v0  }
0x6e: {  	[tilespmem:$0x8580] =	vst v0  }
0x6f: {  	[tilespmem:$0x8590] =	vst v0  }
0x70: {  	[tilespmem:$0x85A0] =	vst v0  }
0x71: {  	[tilespmem:$0x85B0] =	vst v0  }
0x72: {  	[tilespmem:$0x85C0] =	vst v0  }
0x73: {  	[tilespmem:$0x85D0] =	vst v0  }
0x74: {  	[tilespmem:$0x85E0] =	vst v0  }
.Ltmp3:
0x75: {  	[tilespmem:$0x85F0] =	vst v0;
	(pc) =	sbr.rel .LBB2_3-.Ltmp3, $4  }
0x76: {  	[spmem:s2] =	stream.linear.scatter [tilespmem:s11], [sflag:$0x2], $0x400, $0x38;
	[tilespmem:$0x8640] =	vst v63  }
0x77: {  	_ =	swait.ge [sflag:s8], $0x400  }
0x78: {  	[sflag:s8] =	ssyncset.done $0x0  }
0x79: {  	[sflag:s8] =	ssyncadd.s32 $0xFFFFFC00  }
.LBB2_4:
0x7a: {  	_ =	sfence.sel $0x180000  }
0x7b: {  	[bflag:$0x0] =	sbarrier.arrive $0xFFFF  }
0x7c: {  	_ =	strace $0x90000047  }
0x7d: {  	s0 =	sadd.s32 @!p0 $0x100000, s0;
	[bflag:$0x2] =	sbarrier.arrive $0xFFFF  }
0x7e: {  	[sflag:s0] =	ssyncadd.tile.s32 @!p0 $0x1;
	_ =	shalt  }
.Lfunc_end2:
_tile_overlayer_lowered:
.L_overlay_start_2:
0x7f: {  	(tag) =	ssettag $0x2  }
0x80: {  	s0 =	rddreg [dreg:$0x0];
	s2 =	stileid.u32  }
0x81: {  	s1 =	rddreg [dreg:$0x1];
	p0 =	sne.s32 s2, $0x0  }
0x82: {  	s3 =	rddreg [dreg:$0x2];
	[bflag:$0x3] =	sbarrier.arrive $0xFFFF;
	s2 =	simm.s32 @!p0 $0x1C02  }
0x83: {  	[timem:s3], [sflag:s2] =	dma.local @!p0 [hbm:s0], s1  }
0x84: {  	s0 =	simm.s32 @!p0 $0x2  }
0x85: {  	_ =	swait.ge @!p0 [sflag:s0], s1  }
0x86: {  	s1 =	ssub.s32 @!p0 $0x0, s1;
	[sflag:s0] =	ssyncset.done @!p0 $0x0  }
0x87: {  	[sflag:s0] =	ssyncadd.s32 @!p0 s1  }
0x88: {  	[bflag:$0x3] =	sbarrier.arrive $0xFFFF  }
0x89: {  	_ =	shalt  }

</sc_bundles>
